<compile_context>
chip_gen: v7x
topology: tpu7x:2x2x1
jax: 0.10.2.dev20260603
libtpu: 0.0.44.dev20260713+nightly
codegen_flags: <defaults>
</compile_context>

<pallas_src>
import jax
import jax.numpy as jnp
from jax import lax
from jax.experimental import pallas as pl
from jax.experimental.pallas import tpu as pltpu
from jax.experimental.pallas import tpu_sc as plsc

_VOCAB = 50257
_BATCH = 4
_SEQ = 4096
_K = 2
_NC = 2
_NS = 16
_NW = _NC * _NS
_L = 16
_CHUNK = 128
_NSB = _SEQ // _CHUNK


def _router_body(ids_hbm, table_hbm, out_hbm, ids_v, idx1_v, g0_v, g1_v,
                 sem, wsem):
    wid = lax.axis_index("s") * _NC + lax.axis_index("c")
    pltpu.sync_copy(ids_hbm.at[wid], ids_v)
    copies = [
        pltpu.async_copy(table_hbm.at[ids_v.at[j]], g0_v.at[j], sem)
        for j in range(_BATCH)
    ]
    for j in range(_BATCH):
        for g in range(_CHUNK // _L):
            sl = pl.ds(g * _L, _L)
            idx1_v[j, sl] = ids_v[j, sl] + _VOCAB
    copies += [
        pltpu.async_copy(table_hbm.at[idx1_v.at[j]], g1_v.at[j], sem)
        for j in range(_BATCH)
    ]
    for c in copies:
        c.wait()
    w0 = pltpu.async_copy(g0_v, out_hbm.at[:, wid, 0], wsem)
    w1 = pltpu.async_copy(g1_v, out_hbm.at[:, wid, 1], wsem)
    w0.wait()
    w1.wait()


@jax.jit
def _route(ids3, table_flat):
    mesh = plsc.VectorSubcoreMesh(
        core_axis_name="c", subcore_axis_name="s", num_cores=_NC,
        num_subcores=_NS,
    )
    call = pl.kernel(
        _router_body,
        out_type=jax.ShapeDtypeStruct((_BATCH, _NSB, _K, _CHUNK), jnp.int32),
        mesh=mesh,
        scratch_types=[
            pltpu.VMEM((_BATCH, _CHUNK), jnp.int32),
            pltpu.VMEM((_BATCH, _CHUNK), jnp.int32),
            pltpu.VMEM((_BATCH, _CHUNK), jnp.int32),
            pltpu.VMEM((_BATCH, _CHUNK), jnp.int32),
            pltpu.SemaphoreType.DMA,
            pltpu.SemaphoreType.DMA,
        ],
        compiler_params=pltpu.CompilerParams(
            use_tc_tiling_on_sc=False, needs_layout_passes=False,
        ),
    )
    return call(ids3, table_flat)


def kernel(input, hash_table):
    ids3 = input.astype(jnp.int32).reshape(_BATCH, _NSB, _CHUNK).transpose(1, 0, 2)
    table_flat = hash_table.T.reshape(-1)
    out = _route(ids3, table_flat)
    return out.transpose(0, 1, 3, 2).reshape(_BATCH, _SEQ, _K)

# --- scband reference (transcript-rebuilt; emitter-appended) ---
"""Pipeline reference for scband-hash-router-23888608100539 (READ-ONLY COPY).

The authoritative reference and input builder live on the scoring server;
editing this copy changes nothing except your own understanding.
"""

import jax, jax.numpy as jnp
import numpy as np

VOCAB_SIZE = 50257
NUM_EXPERTS = 16
K = 2
BATCH = 4
SEQ = 4096


def setup_inputs(seed: int = 0) -> dict:
    key = jax.random.key(seed)
    k_inp, k_hash = jax.random.split(key)
    inp = jax.random.randint(k_inp, (BATCH, SEQ), 0, VOCAB_SIZE, dtype=jnp.int64 if jax.config.jax_enable_x64 else jnp.int32)
    # hash table built as in build_random_hash: maps each vocab id to K expert ids
    hash_table = jax.random.randint(k_hash, (VOCAB_SIZE, K), 0, NUM_EXPERTS, dtype=jnp.int32)
    return {"input": inp, "hash_table": hash_table}


def reference(input, hash_table):
    # Faithful translation of HashRouter.forward:
    #   hashes = [self.hash[:, i][input] for i in range(self.k)]
    #   out = t.stack(hashes, dim=-1)
    k = hash_table.shape[1]
    hashes = [jnp.take(hash_table[:, i], input, axis=0) for i in range(k)]
    out = jnp.stack(hashes, axis=-1)  # [batch, seq, k]
    return out

if __name__ == "__main__":
    import jax
    _d = setup_inputs()
    print(jax.jit(kernel)(*tuple(_d.values())))

</pallas_src>

<mosaic_0001>
#map = affine_map<(d0, d1) -> (0, 0, 0)>
#map1 = affine_map<(d0, d1) -> (0)>
#map2 = affine_map<(d0, d1) -> (0, 0, 0, 0)>
module attributes {stable_mosaic.version = 14 : i64} {
  func.func @_router_body(%arg0: i32, %arg1: i32, %arg2: memref<32x4x128xi32, #tpu.memory_space<hbm>>, %arg3: memref<100514xi32, #tpu.memory_space<hbm>>, %arg4: memref<4x32x2x128xi32, #tpu.memory_space<hbm>>, %arg5: memref<4x128xi32, #tpu.memory_space<vmem>>, %arg6: memref<4x128xi32, #tpu.memory_space<vmem>>, %arg7: memref<4x128xi32, #tpu.memory_space<vmem>>, %arg8: memref<4x128xi32, #tpu.memory_space<vmem>>, %arg9: memref<!tpu.dma_semaphore, #tpu.memory_space<semaphore_mem>>, %arg10: memref<!tpu.dma_semaphore, #tpu.memory_space<semaphore_mem>>) attributes {dimension_semantics = [#tpu.dimension_semantics<core_parallel>, #tpu.dimension_semantics<subcore_parallel>], iteration_bounds = array<i64: 2, 16>, scalar_prefetch = 0 : i64, scratch_operands = 6 : i64, tpu.core_type = #tpu.core_type<sc_vector_subcore>, window_params = [{transform_indices = #map}, {transform_indices = #map1}, {transform_indices = #map2}]} {
    %mul3A = arith.constant 2 : i32
    %mul3A_0 = arith.muli %arg1, %mul3A : i32
    %add3A = arith.addi %mul3A_0, %arg0 : i32
    "tpu.region"() ({
      %run_scoped3A = tpu.sem_alloc : memref<!tpu.dma_semaphore, #tpu.memory_space<semaphore_mem>>
      %dma_start3A_545 = arith.constant 0 : i32
      %dma_start3A_546 = arith.constant 0 : i32
      %dma_start3A_547 = tpu.memref_slice %arg2[%add3A, %dma_start3A_545, %dma_start3A_546] : memref<32x4x128xi32, #tpu.memory_space<hbm>> -> memref<1x4x128xi32, #tpu.memory_space<hbm>>
      %dma_start3A_548 = tpu.memref_squeeze %dma_start3A_547 : memref<1x4x128xi32, #tpu.memory_space<hbm>> -> memref<4x128xi32, #tpu.memory_space<hbm>>
      %dma_start3A_549 = arith.constant 0 : i32
      %dma_start3A_550 = arith.constant 0 : i32
      %dma_start3A_551 = tpu.memref_slice %arg2[%add3A, %dma_start3A_549, %dma_start3A_550] : memref<32x4x128xi32, #tpu.memory_space<hbm>> -> memref<1x4x128xi32, #tpu.memory_space<hbm>>
      %dma_start3A_552 = tpu.memref_squeeze %dma_start3A_551 : memref<1x4x128xi32, #tpu.memory_space<hbm>> -> memref<4x128xi32, #tpu.memory_space<hbm>>
      tpu.enqueue_dma source(%dma_start3A_552 : memref<4x128xi32, #tpu.memory_space<hbm>>) target(%arg5 : memref<4x128xi32, #tpu.memory_space<vmem>>) target_semaphore(%run_scoped3A : memref<!tpu.dma_semaphore, #tpu.memory_space<semaphore_mem>>)
      %dma_wait3A_553 = arith.constant 0 : i32
      %dma_wait3A_554 = arith.constant 0 : i32
      %dma_wait3A_555 = tpu.memref_slice %arg2[%add3A, %dma_wait3A_553, %dma_wait3A_554] : memref<32x4x128xi32, #tpu.memory_space<hbm>> -> memref<1x4x128xi32, #tpu.memory_space<hbm>>
      %dma_wait3A_556 = tpu.memref_squeeze %dma_wait3A_555 : memref<1x4x128xi32, #tpu.memory_space<hbm>> -> memref<4x128xi32, #tpu.memory_space<hbm>>
      %dma_wait3A_557 = arith.constant 0 : i32
      %dma_wait3A_558 = arith.constant 0 : i32
      %dma_wait3A_559 = tpu.memref_slice %arg2[%add3A, %dma_wait3A_557, %dma_wait3A_558] : memref<32x4x128xi32, #tpu.memory_space<hbm>> -> memref<1x4x128xi32, #tpu.memory_space<hbm>>
      %dma_wait3A_560 = tpu.memref_squeeze %dma_wait3A_559 : memref<1x4x128xi32, #tpu.memory_space<hbm>> -> memref<4x128xi32, #tpu.memory_space<hbm>>
      tpu.wait_dma2 semaphore(%run_scoped3A : memref<!tpu.dma_semaphore, #tpu.memory_space<semaphore_mem>>) src(%dma_wait3A_560 : memref<4x128xi32, #tpu.memory_space<hbm>>) dst(%arg5 : memref<4x128xi32, #tpu.memory_space<vmem>>)
      tpu.yield
    }) : () -> ()
    %dma_start3A = arith.constant 0 : i32
    %dma_start3A_1 = arith.constant 0 : i32
    %dma_start3A_2 = arith.constant 0 : i32
    %dma_start3A_3 = tpu.memref_slice %arg7[%dma_start3A_1, %dma_start3A_2] : memref<4x128xi32, #tpu.memory_space<vmem>> -> memref<1x128xi32, #tpu.memory_space<vmem>>
    %dma_start3A_4 = tpu.memref_squeeze %dma_start3A_3 : memref<1x128xi32, #tpu.memory_space<vmem>> -> memref<128xi32, #tpu.memory_space<vmem>>
    %dma_start3A_5 = arith.constant 0 : i32
    %dma_start3A_6 = tpu.memref_slice %arg5[%dma_start3A, %dma_start3A_5] : memref<4x128xi32, #tpu.memory_space<vmem>> -> memref<1x128xi32, #tpu.memory_space<vmem>>
    %dma_start3A_7 = tpu.memref_squeeze %dma_start3A_6 : memref<1x128xi32, #tpu.memory_space<vmem>> -> memref<128xi32, #tpu.memory_space<vmem>>
    %dma_start3A_8 = arith.constant 0 : i32
    %dma_start3A_9 = tpu.memref_slice %arg3[%dma_start3A_8] : memref<100514xi32, #tpu.memory_space<hbm>> -> memref<100514xi32, #tpu.memory_space<hbm>>
    tpu.enqueue_indirect_dma source(%dma_start3A_9 : memref<100514xi32, #tpu.memory_space<hbm>>) target(%dma_start3A_4 : memref<128xi32, #tpu.memory_space<vmem>>) offsets(%dma_start3A_7 : memref<128xi32, #tpu.memory_space<vmem>>) semaphore(%arg9 : memref<!tpu.dma_semaphore, #tpu.memory_space<semaphore_mem>>)
    %dma_start3A_10 = arith.constant 1 : i32
    %dma_start3A_11 = arith.constant 1 : i32
    %dma_start3A_12 = arith.constant 0 : i32
    %dma_start3A_13 = tpu.memref_slice %arg7[%dma_start3A_11, %dma_start3A_12] : memref<4x128xi32, #tpu.memory_space<vmem>> -> memref<1x128xi32, #tpu.memory_space<vmem>>
    %dma_start3A_14 = tpu.memref_squeeze %dma_start3A_13 : memref<1x128xi32, #tpu.memory_space<vmem>> -> memref<128xi32, #tpu.memory_space<vmem>>
    %dma_start3A_15 = arith.constant 0 : i32
    %dma_start3A_16 = tpu.memref_slice %arg5[%dma_start3A_10, %dma_start3A_15] : memref<4x128xi32, #tpu.memory_space<vmem>> -> memref<1x128xi32, #tpu.memory_space<vmem>>
    %dma_start3A_17 = tpu.memref_squeeze %dma_start3A_16 : memref<1x128xi32, #tpu.memory_space<vmem>> -> memref<128xi32, #tpu.memory_space<vmem>>
    %dma_start3A_18 = arith.constant 0 : i32
    %dma_start3A_19 = tpu.memref_slice %arg3[%dma_start3A_18] : memref<100514xi32, #tpu.memory_space<hbm>> -> memref<100514xi32, #tpu.memory_space<hbm>>
    tpu.enqueue_indirect_dma source(%dma_start3A_19 : memref<100514xi32, #tpu.memory_space<hbm>>) target(%dma_start3A_14 : memref<128xi32, #tpu.memory_space<vmem>>) offsets(%dma_start3A_17 : memref<128xi32, #tpu.memory_space<vmem>>) semaphore(%arg9 : memref<!tpu.dma_semaphore, #tpu.memory_space<semaphore_mem>>)
    %dma_start3A_20 = arith.constant 2 : i32
    %dma_start3A_21 = arith.constant 2 : i32
    %dma_start3A_22 = arith.constant 0 : i32
    %dma_start3A_23 = tpu.memref_slice %arg7[%dma_start3A_21, %dma_start3A_22] : memref<4x128xi32, #tpu.memory_space<vmem>> -> memref<1x128xi32, #tpu.memory_space<vmem>>
    %dma_start3A_24 = tpu.memref_squeeze %dma_start3A_23 : memref<1x128xi32, #tpu.memory_space<vmem>> -> memref<128xi32, #tpu.memory_space<vmem>>
    %dma_start3A_25 = arith.constant 0 : i32
    %dma_start3A_26 = tpu.memref_slice %arg5[%dma_start3A_20, %dma_start3A_25] : memref<4x128xi32, #tpu.memory_space<vmem>> -> memref<1x128xi32, #tpu.memory_space<vmem>>
    %dma_start3A_27 = tpu.memref_squeeze %dma_start3A_26 : memref<1x128xi32, #tpu.memory_space<vmem>> -> memref<128xi32, #tpu.memory_space<vmem>>
    %dma_start3A_28 = arith.constant 0 : i32
    %dma_start3A_29 = tpu.memref_slice %arg3[%dma_start3A_28] : memref<100514xi32, #tpu.memory_space<hbm>> -> memref<100514xi32, #tpu.memory_space<hbm>>
    tpu.enqueue_indirect_dma source(%dma_start3A_29 : memref<100514xi32, #tpu.memory_space<hbm>>) target(%dma_start3A_24 : memref<128xi32, #tpu.memory_space<vmem>>) offsets(%dma_start3A_27 : memref<128xi32, #tpu.memory_space<vmem>>) semaphore(%arg9 : memref<!tpu.dma_semaphore, #tpu.memory_space<semaphore_mem>>)
    %dma_start3A_30 = arith.constant 3 : i32
    %dma_start3A_31 = arith.constant 3 : i32
    %dma_start3A_32 = arith.constant 0 : i32
    %dma_start3A_33 = tpu.memref_slice %arg7[%dma_start3A_31, %dma_start3A_32] : memref<4x128xi32, #tpu.memory_space<vmem>> -> memref<1x128xi32, #tpu.memory_space<vmem>>
    %dma_start3A_34 = tpu.memref_squeeze %dma_start3A_33 : memref<1x128xi32, #tpu.memory_space<vmem>> -> memref<128xi32, #tpu.memory_space<vmem>>
    %dma_start3A_35 = arith.constant 0 : i32
    %dma_start3A_36 = tpu.memref_slice %arg5[%dma_start3A_30, %dma_start3A_35] : memref<4x128xi32, #tpu.memory_space<vmem>> -> memref<1x128xi32, #tpu.memory_space<vmem>>
    %dma_start3A_37 = tpu.memref_squeeze %dma_start3A_36 : memref<1x128xi32, #tpu.memory_space<vmem>> -> memref<128xi32, #tpu.memory_space<vmem>>
    %dma_start3A_38 = arith.constant 0 : i32
    %dma_start3A_39 = tpu.memref_slice %arg3[%dma_start3A_38] : memref<100514xi32, #tpu.memory_space<hbm>> -> memref<100514xi32, #tpu.memory_space<hbm>>
    tpu.enqueue_indirect_dma source(%dma_start3A_39 : memref<100514xi32, #tpu.memory_space<hbm>>) target(%dma_start3A_34 : memref<128xi32, #tpu.memory_space<vmem>>) offsets(%dma_start3A_37 : memref<128xi32, #tpu.memory_space<vmem>>) semaphore(%arg9 : memref<!tpu.dma_semaphore, #tpu.memory_space<semaphore_mem>>)
    %get3A = arith.constant 0 : i32
    %get3A_40 = arith.index_cast %get3A : i32 to index
    %get3A_41 = arith.constant 0 : index
    %get3A_42 = tpu.vector_load %arg5[%get3A_40, %get3A_41] {strides = array<i32>} : memref<4x128xi32, #tpu.memory_space<vmem>>, vector<16xi32>,
    %add3A_43 = arith.constant 50257 : i32
    %add3A_44 = vector.broadcast %add3A_43 : i32 to vector<16xi32>
    %add3A_45 = arith.addi %get3A_42, %add3A_44 : vector<16xi32>
    %swap3A = arith.constant 0 : i32
    %swap3A_46 = arith.index_cast %swap3A : i32 to index
    %swap3A_47 = arith.constant 0 : index
    %swap3A_48 = tpu.vector_load %arg6[%swap3A_46, %swap3A_47] {strides = array<i32>} : memref<4x128xi32, #tpu.memory_space<vmem>>, vector<16xi32>,
    tpu.vector_store %arg6[%swap3A_46, %swap3A_47], %add3A_45 {strides = array<i32>} : memref<4x128xi32, #tpu.memory_space<vmem>>, vector<16xi32>,
    %get3A_49 = arith.constant 0 : i32
    %get3A_50 = arith.index_cast %get3A_49 : i32 to index
    %get3A_51 = arith.constant 16 : index
    %get3A_52 = tpu.vector_load %arg5[%get3A_50, %get3A_51] {strides = array<i32>} : memref<4x128xi32, #tpu.memory_space<vmem>>, vector<16xi32>,
    %add3A_53 = arith.constant 50257 : i32
    %add3A_54 = vector.broadcast %add3A_53 : i32 to vector<16xi32>
    %add3A_55 = arith.addi %get3A_52, %add3A_54 : vector<16xi32>
    %swap3A_56 = arith.constant 0 : i32
    %swap3A_57 = arith.index_cast %swap3A_56 : i32 to index
    %swap3A_58 = arith.constant 16 : index
    %swap3A_59 = tpu.vector_load %arg6[%swap3A_57, %swap3A_58] {strides = array<i32>} : memref<4x128xi32, #tpu.memory_space<vmem>>, vector<16xi32>,
    tpu.vector_store %arg6[%swap3A_57, %swap3A_58], %add3A_55 {strides = array<i32>} : memref<4x128xi32, #tpu.memory_space<vmem>>, vector<16xi32>,
    %get3A_60 = arith.constant 0 : i32
    %get3A_61 = arith.index_cast %get3A_60 : i32 to index
    %get3A_62 = arith.constant 32 : index
    %get3A_63 = tpu.vector_load %arg5[%get3A_61, %get3A_62] {strides = array<i32>} : memref<4x128xi32, #tpu.memory_space<vmem>>, vector<16xi32>,
    %add3A_64 = arith.constant 50257 : i32
    %add3A_65 = vector.broadcast %add3A_64 : i32 to vector<16xi32>
    %add3A_66 = arith.addi %get3A_63, %add3A_65 : vector<16xi32>
    %swap3A_67 = arith.constant 0 : i32
    %swap3A_68 = arith.index_cast %swap3A_67 : i32 to index
    %swap3A_69 = arith.constant 32 : index
    %swap3A_70 = tpu.vector_load %arg6[%swap3A_68, %swap3A_69] {strides = array<i32>} : memref<4x128xi32, #tpu.memory_space<vmem>>, vector<16xi32>,
    tpu.vector_store %arg6[%swap3A_68, %swap3A_69], %add3A_66 {strides = array<i32>} : memref<4x128xi32, #tpu.memory_space<vmem>>, vector<16xi32>,
    %get3A_71 = arith.constant 0 : i32
    %get3A_72 = arith.index_cast %get3A_71 : i32 to index
    %get3A_73 = arith.constant 48 : index
    %get3A_74 = tpu.vector_load %arg5[%get3A_72, %get3A_73] {strides = array<i32>} : memref<4x128xi32, #tpu.memory_space<vmem>>, vector<16xi32>,
    %add3A_75 = arith.constant 50257 : i32
    %add3A_76 = vector.broadcast %add3A_75 : i32 to vector<16xi32>
    %add3A_77 = arith.addi %get3A_74, %add3A_76 : vector<16xi32>
    %swap3A_78 = arith.constant 0 : i32
    %swap3A_79 = arith.index_cast %swap3A_78 : i32 to index
    %swap3A_80 = arith.constant 48 : index
    %swap3A_81 = tpu.vector_load %arg6[%swap3A_79, %swap3A_80] {strides = array<i32>} : memref<4x128xi32, #tpu.memory_space<vmem>>, vector<16xi32>,
    tpu.vector_store %arg6[%swap3A_79, %swap3A_80], %add3A_77 {strides = array<i32>} : memref<4x128xi32, #tpu.memory_space<vmem>>, vector<16xi32>,
    %get3A_82 = arith.constant 0 : i32
    %get3A_83 = arith.index_cast %get3A_82 : i32 to index
    %get3A_84 = arith.constant 64 : index
    %get3A_85 = tpu.vector_load %arg5[%get3A_83, %get3A_84] {strides = array<i32>} : memref<4x128xi32, #tpu.memory_space<vmem>>, vector<16xi32>,
    %add3A_86 = arith.constant 50257 : i32
    %add3A_87 = vector.broadcast %add3A_86 : i32 to vector<16xi32>
    %add3A_88 = arith.addi %get3A_85, %add3A_87 : vector<16xi32>
    %swap3A_89 = arith.constant 0 : i32
    %swap3A_90 = arith.index_cast %swap3A_89 : i32 to index
    %swap3A_91 = arith.constant 64 : index
    %swap3A_92 = tpu.vector_load %arg6[%swap3A_90, %swap3A_91] {strides = array<i32>} : memref<4x128xi32, #tpu.memory_space<vmem>>, vector<16xi32>,
    tpu.vector_store %arg6[%swap3A_90, %swap3A_91], %add3A_88 {strides = array<i32>} : memref<4x128xi32, #tpu.memory_space<vmem>>, vector<16xi32>,
    %get3A_93 = arith.constant 0 : i32
    %get3A_94 = arith.index_cast %get3A_93 : i32 to index
    %get3A_95 = arith.constant 80 : index
    %get3A_96 = tpu.vector_load %arg5[%get3A_94, %get3A_95] {strides = array<i32>} : memref<4x128xi32, #tpu.memory_space<vmem>>, vector<16xi32>,
    %add3A_97 = arith.constant 50257 : i32
    %add3A_98 = vector.broadcast %add3A_97 : i32 to vector<16xi32>
    %add3A_99 = arith.addi %get3A_96, %add3A_98 : vector<16xi32>
    %swap3A_100 = arith.constant 0 : i32
    %swap3A_101 = arith.index_cast %swap3A_100 : i32 to index
    %swap3A_102 = arith.constant 80 : index
    %swap3A_103 = tpu.vector_load %arg6[%swap3A_101, %swap3A_102] {strides = array<i32>} : memref<4x128xi32, #tpu.memory_space<vmem>>, vector<16xi32>,
    tpu.vector_store %arg6[%swap3A_101, %swap3A_102], %add3A_99 {strides = array<i32>} : memref<4x128xi32, #tpu.memory_space<vmem>>, vector<16xi32>,
    %get3A_104 = arith.constant 0 : i32
    %get3A_105 = arith.index_cast %get3A_104 : i32 to index
    %get3A_106 = arith.constant 96 : index
    %get3A_107 = tpu.vector_load %arg5[%get3A_105, %get3A_106] {strides = array<i32>} : memref<4x128xi32, #tpu.memory_space<vmem>>, vector<16xi32>,
    %add3A_108 = arith.constant 50257 : i32
    %add3A_109 = vector.broadcast %add3A_108 : i32 to vector<16xi32>
    %add3A_110 = arith.addi %get3A_107, %add3A_109 : vector<16xi32>
    %swap3A_111 = arith.constant 0 : i32
    %swap3A_112 = arith.index_cast %swap3A_111 : i32 to index
    %swap3A_113 = arith.constant 96 : index
    %swap3A_114 = tpu.vector_load %arg6[%swap3A_112, %swap3A_113] {strides = array<i32>} : memref<4x128xi32, #tpu.memory_space<vmem>>, vector<16xi32>,
    tpu.vector_store %arg6[%swap3A_112, %swap3A_113], %add3A_110 {strides = array<i32>} : memref<4x128xi32, #tpu.memory_space<vmem>>, vector<16xi32>,
    %get3A_115 = arith.constant 0 : i32
    %get3A_116 = arith.index_cast %get3A_115 : i32 to index
    %get3A_117 = arith.constant 112 : index
    %get3A_118 = tpu.vector_load %arg5[%get3A_116, %get3A_117] {strides = array<i32>} : memref<4x128xi32, #tpu.memory_space<vmem>>, vector<16xi32>,
    %add3A_119 = arith.constant 50257 : i32
    %add3A_120 = vector.broadcast %add3A_119 : i32 to vector<16xi32>
    %add3A_121 = arith.addi %get3A_118, %add3A_120 : vector<16xi32>
    %swap3A_122 = arith.constant 0 : i32
    %swap3A_123 = arith.index_cast %swap3A_122 : i32 to index
    %swap3A_124 = arith.constant 112 : index
    %swap3A_125 = tpu.vector_load %arg6[%swap3A_123, %swap3A_124] {strides = array<i32>} : memref<4x128xi32, #tpu.memory_space<vmem>>, vector<16xi32>,
    tpu.vector_store %arg6[%swap3A_123, %swap3A_124], %add3A_121 {strides = array<i32>} : memref<4x128xi32, #tpu.memory_space<vmem>>, vector<16xi32>,
    %get3A_126 = arith.constant 1 : i32
    %get3A_127 = arith.index_cast %get3A_126 : i32 to index
    %get3A_128 = arith.constant 0 : index
    %get3A_129 = tpu.vector_load %arg5[%get3A_127, %get3A_128] {strides = array<i32>} : memref<4x128xi32, #tpu.memory_space<vmem>>, vector<16xi32>,
    %add3A_130 = arith.constant 50257 : i32
    %add3A_131 = vector.broadcast %add3A_130 : i32 to vector<16xi32>
    %add3A_132 = arith.addi %get3A_129, %add3A_131 : vector<16xi32>
    %swap3A_133 = arith.constant 1 : i32
    %swap3A_134 = arith.index_cast %swap3A_133 : i32 to index
    %swap3A_135 = arith.constant 0 : index
    %swap3A_136 = tpu.vector_load %arg6[%swap3A_134, %swap3A_135] {strides = array<i32>} : memref<4x128xi32, #tpu.memory_space<vmem>>, vector<16xi32>,
    tpu.vector_store %arg6[%swap3A_134, %swap3A_135], %add3A_132 {strides = array<i32>} : memref<4x128xi32, #tpu.memory_space<vmem>>, vector<16xi32>,
    %get3A_137 = arith.constant 1 : i32
    %get3A_138 = arith.index_cast %get3A_137 : i32 to index
    %get3A_139 = arith.constant 16 : index
    %get3A_140 = tpu.vector_load %arg5[%get3A_138, %get3A_139] {strides = array<i32>} : memref<4x128xi32, #tpu.memory_space<vmem>>, vector<16xi32>,
    %add3A_141 = arith.constant 50257 : i32
    %add3A_142 = vector.broadcast %add3A_141 : i32 to vector<16xi32>
    %add3A_143 = arith.addi %get3A_140, %add3A_142 : vector<16xi32>
    %swap3A_144 = arith.constant 1 : i32
    %swap3A_145 = arith.index_cast %swap3A_144 : i32 to index
    %swap3A_146 = arith.constant 16 : index
    %swap3A_147 = tpu.vector_load %arg6[%swap3A_145, %swap3A_146] {strides = array<i32>} : memref<4x128xi32, #tpu.memory_space<vmem>>, vector<16xi32>,
    tpu.vector_store %arg6[%swap3A_145, %swap3A_146], %add3A_143 {strides = array<i32>} : memref<4x128xi32, #tpu.memory_space<vmem>>, vector<16xi32>,
    %get3A_148 = arith.constant 1 : i32
    %get3A_149 = arith.index_cast %get3A_148 : i32 to index
    %get3A_150 = arith.constant 32 : index
    %get3A_151 = tpu.vector_load %arg5[%get3A_149, %get3A_150] {strides = array<i32>} : memref<4x128xi32, #tpu.memory_space<vmem>>, vector<16xi32>,
    %add3A_152 = arith.constant 50257 : i32
    %add3A_153 = vector.broadcast %add3A_152 : i32 to vector<16xi32>
    %add3A_154 = arith.addi %get3A_151, %add3A_153 : vector<16xi32>
    %swap3A_155 = arith.constant 1 : i32
    %swap3A_156 = arith.index_cast %swap3A_155 : i32 to index
    %swap3A_157 = arith.constant 32 : index
    %swap3A_158 = tpu.vector_load %arg6[%swap3A_156, %swap3A_157] {strides = array<i32>} : memref<4x128xi32, #tpu.memory_space<vmem>>, vector<16xi32>,
    tpu.vector_store %arg6[%swap3A_156, %swap3A_157], %add3A_154 {strides = array<i32>} : memref<4x128xi32, #tpu.memory_space<vmem>>, vector<16xi32>,
    %get3A_159 = arith.constant 1 : i32
    %get3A_160 = arith.index_cast %get3A_159 : i32 to index
    %get3A_161 = arith.constant 48 : index
    %get3A_162 = tpu.vector_load %arg5[%get3A_160, %get3A_161] {strides = array<i32>} : memref<4x128xi32, #tpu.memory_space<vmem>>, vector<16xi32>,
    %add3A_163 = arith.constant 50257 : i32
    %add3A_164 = vector.broadcast %add3A_163 : i32 to vector<16xi32>
    %add3A_165 = arith.addi %get3A_162, %add3A_164 : vector<16xi32>
    %swap3A_166 = arith.constant 1 : i32
    %swap3A_167 = arith.index_cast %swap3A_166 : i32 to index
    %swap3A_168 = arith.constant 48 : index
    %swap3A_169 = tpu.vector_load %arg6[%swap3A_167, %swap3A_168] {strides = array<i32>} : memref<4x128xi32, #tpu.memory_space<vmem>>, vector<16xi32>,
    tpu.vector_store %arg6[%swap3A_167, %swap3A_168], %add3A_165 {strides = array<i32>} : memref<4x128xi32, #tpu.memory_space<vmem>>, vector<16xi32>,
    %get3A_170 = arith.constant 1 : i32
    %get3A_171 = arith.index_cast %get3A_170 : i32 to index
    %get3A_172 = arith.constant 64 : index
    %get3A_173 = tpu.vector_load %arg5[%get3A_171, %get3A_172] {strides = array<i32>} : memref<4x128xi32, #tpu.memory_space<vmem>>, vector<16xi32>,
    %add3A_174 = arith.constant 50257 : i32
    %add3A_175 = vector.broadcast %add3A_174 : i32 to vector<16xi32>
    %add3A_176 = arith.addi %get3A_173, %add3A_175 : vector<16xi32>
    %swap3A_177 = arith.constant 1 : i32
    %swap3A_178 = arith.index_cast %swap3A_177 : i32 to index
    %swap3A_179 = arith.constant 64 : index
    %swap3A_180 = tpu.vector_load %arg6[%swap3A_178, %swap3A_179] {strides = array<i32>} : memref<4x128xi32, #tpu.memory_space<vmem>>, vector<16xi32>,
    tpu.vector_store %arg6[%swap3A_178, %swap3A_179], %add3A_176 {strides = array<i32>} : memref<4x128xi32, #tpu.memory_space<vmem>>, vector<16xi32>,
    %get3A_181 = arith.constant 1 : i32
    %get3A_182 = arith.index_cast %get3A_181 : i32 to index
    %get3A_183 = arith.constant 80 : index
    %get3A_184 = tpu.vector_load %arg5[%get3A_182, %get3A_183] {strides = array<i32>} : memref<4x128xi32, #tpu.memory_space<vmem>>, vector<16xi32>,
    %add3A_185 = arith.constant 50257 : i32
    %add3A_186 = vector.broadcast %add3A_185 : i32 to vector<16xi32>
    %add3A_187 = arith.addi %get3A_184, %add3A_186 : vector<16xi32>
    %swap3A_188 = arith.constant 1 : i32
    %swap3A_189 = arith.index_cast %swap3A_188 : i32 to index
    %swap3A_190 = arith.constant 80 : index
    %swap3A_191 = tpu.vector_load %arg6[%swap3A_189, %swap3A_190] {strides = array<i32>} : memref<4x128xi32, #tpu.memory_space<vmem>>, vector<16xi32>,
    tpu.vector_store %arg6[%swap3A_189, %swap3A_190], %add3A_187 {strides = array<i32>} : memref<4x128xi32, #tpu.memory_space<vmem>>, vector<16xi32>,
    %get3A_192 = arith.constant 1 : i32
    %get3A_193 = arith.index_cast %get3A_192 : i32 to index
    %get3A_194 = arith.constant 96 : index
    %get3A_195 = tpu.vector_load %arg5[%get3A_193, %get3A_194] {strides = array<i32>} : memref<4x128xi32, #tpu.memory_space<vmem>>, vector<16xi32>,
    %add3A_196 = arith.constant 50257 : i32
    %add3A_197 = vector.broadcast %add3A_196 : i32 to vector<16xi32>
    %add3A_198 = arith.addi %get3A_195, %add3A_197 : vector<16xi32>
    %swap3A_199 = arith.constant 1 : i32
    %swap3A_200 = arith.index_cast %swap3A_199 : i32 to index
    %swap3A_201 = arith.constant 96 : index
    %swap3A_202 = tpu.vector_load %arg6[%swap3A_200, %swap3A_201] {strides = array<i32>} : memref<4x128xi32, #tpu.memory_space<vmem>>, vector<16xi32>,
    tpu.vector_store %arg6[%swap3A_200, %swap3A_201], %add3A_198 {strides = array<i32>} : memref<4x128xi32, #tpu.memory_space<vmem>>, vector<16xi32>,
    %get3A_203 = arith.constant 1 : i32
    %get3A_204 = arith.index_cast %get3A_203 : i32 to index
    %get3A_205 = arith.constant 112 : index
    %get3A_206 = tpu.vector_load %arg5[%get3A_204, %get3A_205] {strides = array<i32>} : memref<4x128xi32, #tpu.memory_space<vmem>>, vector<16xi32>,
    %add3A_207 = arith.constant 50257 : i32
    %add3A_208 = vector.broadcast %add3A_207 : i32 to vector<16xi32>
    %add3A_209 = arith.addi %get3A_206, %add3A_208 : vector<16xi32>
    %swap3A_210 = arith.constant 1 : i32
    %swap3A_211 = arith.index_cast %swap3A_210 : i32 to index
    %swap3A_212 = arith.constant 112 : index
    %swap3A_213 = tpu.vector_load %arg6[%swap3A_211, %swap3A_212] {strides = array<i32>} : memref<4x128xi32, #tpu.memory_space<vmem>>, vector<16xi32>,
    tpu.vector_store %arg6[%swap3A_211, %swap3A_212], %add3A_209 {strides = array<i32>} : memref<4x128xi32, #tpu.memory_space<vmem>>, vector<16xi32>,
    %get3A_214 = arith.constant 2 : i32
    %get3A_215 = arith.index_cast %get3A_214 : i32 to index
    %get3A_216 = arith.constant 0 : index
    %get3A_217 = tpu.vector_load %arg5[%get3A_215, %get3A_216] {strides = array<i32>} : memref<4x128xi32, #tpu.memory_space<vmem>>, vector<16xi32>,
    %add3A_218 = arith.constant 50257 : i32
    %add3A_219 = vector.broadcast %add3A_218 : i32 to vector<16xi32>
    %add3A_220 = arith.addi %get3A_217, %add3A_219 : vector<16xi32>
    %swap3A_221 = arith.constant 2 : i32
    %swap3A_222 = arith.index_cast %swap3A_221 : i32 to index
    %swap3A_223 = arith.constant 0 : index
    %swap3A_224 = tpu.vector_load %arg6[%swap3A_222, %swap3A_223] {strides = array<i32>} : memref<4x128xi32, #tpu.memory_space<vmem>>, vector<16xi32>,
    tpu.vector_store %arg6[%swap3A_222, %swap3A_223], %add3A_220 {strides = array<i32>} : memref<4x128xi32, #tpu.memory_space<vmem>>, vector<16xi32>,
    %get3A_225 = arith.constant 2 : i32
    %get3A_226 = arith.index_cast %get3A_225 : i32 to index
    %get3A_227 = arith.constant 16 : index
    %get3A_228 = tpu.vector_load %arg5[%get3A_226, %get3A_227] {strides = array<i32>} : memref<4x128xi32, #tpu.memory_space<vmem>>, vector<16xi32>,
    %add3A_229 = arith.constant 50257 : i32
    %add3A_230 = vector.broadcast %add3A_229 : i32 to vector<16xi32>
    %add3A_231 = arith.addi %get3A_228, %add3A_230 : vector<16xi32>
    %swap3A_232 = arith.constant 2 : i32
    %swap3A_233 = arith.index_cast %swap3A_232 : i32 to index
    %swap3A_234 = arith.constant 16 : index
    %swap3A_235 = tpu.vector_load %arg6[%swap3A_233, %swap3A_234] {strides = array<i32>} : memref<4x128xi32, #tpu.memory_space<vmem>>, vector<16xi32>,
    tpu.vector_store %arg6[%swap3A_233, %swap3A_234], %add3A_231 {strides = array<i32>} : memref<4x128xi32, #tpu.memory_space<vmem>>, vector<16xi32>,
    %get3A_236 = arith.constant 2 : i32
    %get3A_237 = arith.index_cast %get3A_236 : i32 to index
    %get3A_238 = arith.constant 32 : index
    %get3A_239 = tpu.vector_load %arg5[%get3A_237, %get3A_238] {strides = array<i32>} : memref<4x128xi32, #tpu.memory_space<vmem>>, vector<16xi32>,
    %add3A_240 = arith.constant 50257 : i32
    %add3A_241 = vector.broadcast %add3A_240 : i32 to vector<16xi32>
    %add3A_242 = arith.addi %get3A_239, %add3A_241 : vector<16xi32>
    %swap3A_243 = arith.constant 2 : i32
    %swap3A_244 = arith.index_cast %swap3A_243 : i32 to index
    %swap3A_245 = arith.constant 32 : index
    %swap3A_246 = tpu.vector_load %arg6[%swap3A_244, %swap3A_245] {strides = array<i32>} : memref<4x128xi32, #tpu.memory_space<vmem>>, vector<16xi32>,
    tpu.vector_store %arg6[%swap3A_244, %swap3A_245], %add3A_242 {strides = array<i32>} : memref<4x128xi32, #tpu.memory_space<vmem>>, vector<16xi32>,
    %get3A_247 = arith.constant 2 : i32
    %get3A_248 = arith.index_cast %get3A_247 : i32 to index
    %get3A_249 = arith.constant 48 : index
    %get3A_250 = tpu.vector_load %arg5[%get3A_248, %get3A_249] {strides = array<i32>} : memref<4x128xi32, #tpu.memory_space<vmem>>, vector<16xi32>,
    %add3A_251 = arith.constant 50257 : i32
    %add3A_252 = vector.broadcast %add3A_251 : i32 to vector<16xi32>
    %add3A_253 = arith.addi %get3A_250, %add3A_252 : vector<16xi32>
    %swap3A_254 = arith.constant 2 : i32
    %swap3A_255 = arith.index_cast %swap3A_254 : i32 to index
    %swap3A_256 = arith.constant 48 : index
    %swap3A_257 = tpu.vector_load %arg6[%swap3A_255, %swap3A_256] {strides = array<i32>} : memref<4x128xi32, #tpu.memory_space<vmem>>, vector<16xi32>,
    tpu.vector_store %arg6[%swap3A_255, %swap3A_256], %add3A_253 {strides = array<i32>} : memref<4x128xi32, #tpu.memory_space<vmem>>, vector<16xi32>,
    %get3A_258 = arith.constant 2 : i32
    %get3A_259 = arith.index_cast %get3A_258 : i32 to index
    %get3A_260 = arith.constant 64 : index
    %get3A_261 = tpu.vector_load %arg5[%get3A_259, %get3A_260] {strides = array<i32>} : memref<4x128xi32, #tpu.memory_space<vmem>>, vector<16xi32>,
    %add3A_262 = arith.constant 50257 : i32
    %add3A_263 = vector.broadcast %add3A_262 : i32 to vector<16xi32>
    %add3A_264 = arith.addi %get3A_261, %add3A_263 : vector<16xi32>
    %swap3A_265 = arith.constant 2 : i32
    %swap3A_266 = arith.index_cast %swap3A_265 : i32 to index
    %swap3A_267 = arith.constant 64 : index
    %swap3A_268 = tpu.vector_load %arg6[%swap3A_266, %swap3A_267] {strides = array<i32>} : memref<4x128xi32, #tpu.memory_space<vmem>>, vector<16xi32>,
    tpu.vector_store %arg6[%swap3A_266, %swap3A_267], %add3A_264 {strides = array<i32>} : memref<4x128xi32, #tpu.memory_space<vmem>>, vector<16xi32>,
    %get3A_269 = arith.constant 2 : i32
    %get3A_270 = arith.index_cast %get3A_269 : i32 to index
    %get3A_271 = arith.constant 80 : index
    %get3A_272 = tpu.vector_load %arg5[%get3A_270, %get3A_271] {strides = array<i32>} : memref<4x128xi32, #tpu.memory_space<vmem>>, vector<16xi32>,
    %add3A_273 = arith.constant 50257 : i32
    %add3A_274 = vector.broadcast %add3A_273 : i32 to vector<16xi32>
    %add3A_275 = arith.addi %get3A_272, %add3A_274 : vector<16xi32>
    %swap3A_276 = arith.constant 2 : i32
    %swap3A_277 = arith.index_cast %swap3A_276 : i32 to index
    %swap3A_278 = arith.constant 80 : index
    %swap3A_279 = tpu.vector_load %arg6[%swap3A_277, %swap3A_278] {strides = array<i32>} : memref<4x128xi32, #tpu.memory_space<vmem>>, vector<16xi32>,
    tpu.vector_store %arg6[%swap3A_277, %swap3A_278], %add3A_275 {strides = array<i32>} : memref<4x128xi32, #tpu.memory_space<vmem>>, vector<16xi32>,
    %get3A_280 = arith.constant 2 : i32
    %get3A_281 = arith.index_cast %get3A_280 : i32 to index
    %get3A_282 = arith.constant 96 : index
    %get3A_283 = tpu.vector_load %arg5[%get3A_281, %get3A_282] {strides = array<i32>} : memref<4x128xi32, #tpu.memory_space<vmem>>, vector<16xi32>,
    %add3A_284 = arith.constant 50257 : i32
    %add3A_285 = vector.broadcast %add3A_284 : i32 to vector<16xi32>
    %add3A_286 = arith.addi %get3A_283, %add3A_285 : vector<16xi32>
    %swap3A_287 = arith.constant 2 : i32
    %swap3A_288 = arith.index_cast %swap3A_287 : i32 to index
    %swap3A_289 = arith.constant 96 : index
    %swap3A_290 = tpu.vector_load %arg6[%swap3A_288, %swap3A_289] {strides = array<i32>} : memref<4x128xi32, #tpu.memory_space<vmem>>, vector<16xi32>,
    tpu.vector_store %arg6[%swap3A_288, %swap3A_289], %add3A_286 {strides = array<i32>} : memref<4x128xi32, #tpu.memory_space<vmem>>, vector<16xi32>,
    %get3A_291 = arith.constant 2 : i32
    %get3A_292 = arith.index_cast %get3A_291 : i32 to index
    %get3A_293 = arith.constant 112 : index
    %get3A_294 = tpu.vector_load %arg5[%get3A_292, %get3A_293] {strides = array<i32>} : memref<4x128xi32, #tpu.memory_space<vmem>>, vector<16xi32>,
    %add3A_295 = arith.constant 50257 : i32
    %add3A_296 = vector.broadcast %add3A_295 : i32 to vector<16xi32>
    %add3A_297 = arith.addi %get3A_294, %add3A_296 : vector<16xi32>
    %swap3A_298 = arith.constant 2 : i32
    %swap3A_299 = arith.index_cast %swap3A_298 : i32 to index
    %swap3A_300 = arith.constant 112 : index
    %swap3A_301 = tpu.vector_load %arg6[%swap3A_299, %swap3A_300] {strides = array<i32>} : memref<4x128xi32, #tpu.memory_space<vmem>>, vector<16xi32>,
    tpu.vector_store %arg6[%swap3A_299, %swap3A_300], %add3A_297 {strides = array<i32>} : memref<4x128xi32, #tpu.memory_space<vmem>>, vector<16xi32>,
    %get3A_302 = arith.constant 3 : i32
    %get3A_303 = arith.index_cast %get3A_302 : i32 to index
    %get3A_304 = arith.constant 0 : index
    %get3A_305 = tpu.vector_load %arg5[%get3A_303, %get3A_304] {strides = array<i32>} : memref<4x128xi32, #tpu.memory_space<vmem>>, vector<16xi32>,
    %add3A_306 = arith.constant 50257 : i32
    %add3A_307 = vector.broadcast %add3A_306 : i32 to vector<16xi32>
    %add3A_308 = arith.addi %get3A_305, %add3A_307 : vector<16xi32>
    %swap3A_309 = arith.constant 3 : i32
    %swap3A_310 = arith.index_cast %swap3A_309 : i32 to index
    %swap3A_311 = arith.constant 0 : index
    %swap3A_312 = tpu.vector_load %arg6[%swap3A_310, %swap3A_311] {strides = array<i32>} : memref<4x128xi32, #tpu.memory_space<vmem>>, vector<16xi32>,
    tpu.vector_store %arg6[%swap3A_310, %swap3A_311], %add3A_308 {strides = array<i32>} : memref<4x128xi32, #tpu.memory_space<vmem>>, vector<16xi32>,
    %get3A_313 = arith.constant 3 : i32
    %get3A_314 = arith.index_cast %get3A_313 : i32 to index
    %get3A_315 = arith.constant 16 : index
    %get3A_316 = tpu.vector_load %arg5[%get3A_314, %get3A_315] {strides = array<i32>} : memref<4x128xi32, #tpu.memory_space<vmem>>, vector<16xi32>,
    %add3A_317 = arith.constant 50257 : i32
    %add3A_318 = vector.broadcast %add3A_317 : i32 to vector<16xi32>
    %add3A_319 = arith.addi %get3A_316, %add3A_318 : vector<16xi32>
    %swap3A_320 = arith.constant 3 : i32
    %swap3A_321 = arith.index_cast %swap3A_320 : i32 to index
    %swap3A_322 = arith.constant 16 : index
    %swap3A_323 = tpu.vector_load %arg6[%swap3A_321, %swap3A_322] {strides = array<i32>} : memref<4x128xi32, #tpu.memory_space<vmem>>, vector<16xi32>,
    tpu.vector_store %arg6[%swap3A_321, %swap3A_322], %add3A_319 {strides = array<i32>} : memref<4x128xi32, #tpu.memory_space<vmem>>, vector<16xi32>,
    %get3A_324 = arith.constant 3 : i32
    %get3A_325 = arith.index_cast %get3A_324 : i32 to index
    %get3A_326 = arith.constant 32 : index
    %get3A_327 = tpu.vector_load %arg5[%get3A_325, %get3A_326] {strides = array<i32>} : memref<4x128xi32, #tpu.memory_space<vmem>>, vector<16xi32>,
    %add3A_328 = arith.constant 50257 : i32
    %add3A_329 = vector.broadcast %add3A_328 : i32 to vector<16xi32>
    %add3A_330 = arith.addi %get3A_327, %add3A_329 : vector<16xi32>
    %swap3A_331 = arith.constant 3 : i32
    %swap3A_332 = arith.index_cast %swap3A_331 : i32 to index
    %swap3A_333 = arith.constant 32 : index
    %swap3A_334 = tpu.vector_load %arg6[%swap3A_332, %swap3A_333] {strides = array<i32>} : memref<4x128xi32, #tpu.memory_space<vmem>>, vector<16xi32>,
    tpu.vector_store %arg6[%swap3A_332, %swap3A_333], %add3A_330 {strides = array<i32>} : memref<4x128xi32, #tpu.memory_space<vmem>>, vector<16xi32>,
    %get3A_335 = arith.constant 3 : i32
    %get3A_336 = arith.index_cast %get3A_335 : i32 to index
    %get3A_337 = arith.constant 48 : index
    %get3A_338 = tpu.vector_load %arg5[%get3A_336, %get3A_337] {strides = array<i32>} : memref<4x128xi32, #tpu.memory_space<vmem>>, vector<16xi32>,
    %add3A_339 = arith.constant 50257 : i32
    %add3A_340 = vector.broadcast %add3A_339 : i32 to vector<16xi32>
    %add3A_341 = arith.addi %get3A_338, %add3A_340 : vector<16xi32>
    %swap3A_342 = arith.constant 3 : i32
    %swap3A_343 = arith.index_cast %swap3A_342 : i32 to index
    %swap3A_344 = arith.constant 48 : index
    %swap3A_345 = tpu.vector_load %arg6[%swap3A_343, %swap3A_344] {strides = array<i32>} : memref<4x128xi32, #tpu.memory_space<vmem>>, vector<16xi32>,
    tpu.vector_store %arg6[%swap3A_343, %swap3A_344], %add3A_341 {strides = array<i32>} : memref<4x128xi32, #tpu.memory_space<vmem>>, vector<16xi32>,
    %get3A_346 = arith.constant 3 : i32
    %get3A_347 = arith.index_cast %get3A_346 : i32 to index
    %get3A_348 = arith.constant 64 : index
    %get3A_349 = tpu.vector_load %arg5[%get3A_347, %get3A_348] {strides = array<i32>} : memref<4x128xi32, #tpu.memory_space<vmem>>, vector<16xi32>,
    %add3A_350 = arith.constant 50257 : i32
    %add3A_351 = vector.broadcast %add3A_350 : i32 to vector<16xi32>
    %add3A_352 = arith.addi %get3A_349, %add3A_351 : vector<16xi32>
    %swap3A_353 = arith.constant 3 : i32
    %swap3A_354 = arith.index_cast %swap3A_353 : i32 to index
    %swap3A_355 = arith.constant 64 : index
    %swap3A_356 = tpu.vector_load %arg6[%swap3A_354, %swap3A_355] {strides = array<i32>} : memref<4x128xi32, #tpu.memory_space<vmem>>, vector<16xi32>,
    tpu.vector_store %arg6[%swap3A_354, %swap3A_355], %add3A_352 {strides = array<i32>} : memref<4x128xi32, #tpu.memory_space<vmem>>, vector<16xi32>,
    %get3A_357 = arith.constant 3 : i32
    %get3A_358 = arith.index_cast %get3A_357 : i32 to index
    %get3A_359 = arith.constant 80 : index
    %get3A_360 = tpu.vector_load %arg5[%get3A_358, %get3A_359] {strides = array<i32>} : memref<4x128xi32, #tpu.memory_space<vmem>>, vector<16xi32>,
    %add3A_361 = arith.constant 50257 : i32
    %add3A_362 = vector.broadcast %add3A_361 : i32 to vector<16xi32>
    %add3A_363 = arith.addi %get3A_360, %add3A_362 : vector<16xi32>
    %swap3A_364 = arith.constant 3 : i32
    %swap3A_365 = arith.index_cast %swap3A_364 : i32 to index
    %swap3A_366 = arith.constant 80 : index
    %swap3A_367 = tpu.vector_load %arg6[%swap3A_365, %swap3A_366] {strides = array<i32>} : memref<4x128xi32, #tpu.memory_space<vmem>>, vector<16xi32>,
    tpu.vector_store %arg6[%swap3A_365, %swap3A_366], %add3A_363 {strides = array<i32>} : memref<4x128xi32, #tpu.memory_space<vmem>>, vector<16xi32>,
    %get3A_368 = arith.constant 3 : i32
    %get3A_369 = arith.index_cast %get3A_368 : i32 to index
    %get3A_370 = arith.constant 96 : index
    %get3A_371 = tpu.vector_load %arg5[%get3A_369, %get3A_370] {strides = array<i32>} : memref<4x128xi32, #tpu.memory_space<vmem>>, vector<16xi32>,
    %add3A_372 = arith.constant 50257 : i32
    %add3A_373 = vector.broadcast %add3A_372 : i32 to vector<16xi32>
    %add3A_374 = arith.addi %get3A_371, %add3A_373 : vector<16xi32>
    %swap3A_375 = arith.constant 3 : i32
    %swap3A_376 = arith.index_cast %swap3A_375 : i32 to index
    %swap3A_377 = arith.constant 96 : index
    %swap3A_378 = tpu.vector_load %arg6[%swap3A_376, %swap3A_377] {strides = array<i32>} : memref<4x128xi32, #tpu.memory_space<vmem>>, vector<16xi32>,
    tpu.vector_store %arg6[%swap3A_376, %swap3A_377], %add3A_374 {strides = array<i32>} : memref<4x128xi32, #tpu.memory_space<vmem>>, vector<16xi32>,
    %get3A_379 = arith.constant 3 : i32
    %get3A_380 = arith.index_cast %get3A_379 : i32 to index
    %get3A_381 = arith.constant 112 : index
    %get3A_382 = tpu.vector_load %arg5[%get3A_380, %get3A_381] {strides = array<i32>} : memref<4x128xi32, #tpu.memory_space<vmem>>, vector<16xi32>,
    %add3A_383 = arith.constant 50257 : i32
    %add3A_384 = vector.broadcast %add3A_383 : i32 to vector<16xi32>
    %add3A_385 = arith.addi %get3A_382, %add3A_384 : vector<16xi32>
    %swap3A_386 = arith.constant 3 : i32
    %swap3A_387 = arith.index_cast %swap3A_386 : i32 to index
    %swap3A_388 = arith.constant 112 : index
    %swap3A_389 = tpu.vector_load %arg6[%swap3A_387, %swap3A_388] {strides = array<i32>} : memref<4x128xi32, #tpu.memory_space<vmem>>, vector<16xi32>,
    tpu.vector_store %arg6[%swap3A_387, %swap3A_388], %add3A_385 {strides = array<i32>} : memref<4x128xi32, #tpu.memory_space<vmem>>, vector<16xi32>,
    %dma_start3A_390 = arith.constant 0 : i32
    %dma_start3A_391 = arith.constant 0 : i32
    %dma_start3A_392 = arith.constant 0 : i32
    %dma_start3A_393 = tpu.memref_slice %arg8[%dma_start3A_391, %dma_start3A_392] : memref<4x128xi32, #tpu.memory_space<vmem>> -> memref<1x128xi32, #tpu.memory_space<vmem>>
    %dma_start3A_394 = tpu.memref_squeeze %dma_start3A_393 : memref<1x128xi32, #tpu.memory_space<vmem>> -> memref<128xi32, #tpu.memory_space<vmem>>
    %dma_start3A_395 = arith.constant 0 : i32
    %dma_start3A_396 = tpu.memref_slice %arg6[%dma_start3A_390, %dma_start3A_395] : memref<4x128xi32, #tpu.memory_space<vmem>> -> memref<1x128xi32, #tpu.memory_space<vmem>>
    %dma_start3A_397 = tpu.memref_squeeze %dma_start3A_396 : memref<1x128xi32, #tpu.memory_space<vmem>> -> memref<128xi32, #tpu.memory_space<vmem>>
    %dma_start3A_398 = arith.constant 0 : i32
    %dma_start3A_399 = tpu.memref_slice %arg3[%dma_start3A_398] : memref<100514xi32, #tpu.memory_space<hbm>> -> memref<100514xi32, #tpu.memory_space<hbm>>
    tpu.enqueue_indirect_dma source(%dma_start3A_399 : memref<100514xi32, #tpu.memory_space<hbm>>) target(%dma_start3A_394 : memref<128xi32, #tpu.memory_space<vmem>>) offsets(%dma_start3A_397 : memref<128xi32, #tpu.memory_space<vmem>>) semaphore(%arg9 : memref<!tpu.dma_semaphore, #tpu.memory_space<semaphore_mem>>)
    %dma_start3A_400 = arith.constant 1 : i32
    %dma_start3A_401 = arith.constant 1 : i32
    %dma_start3A_402 = arith.constant 0 : i32
    %dma_start3A_403 = tpu.memref_slice %arg8[%dma_start3A_401, %dma_start3A_402] : memref<4x128xi32, #tpu.memory_space<vmem>> -> memref<1x128xi32, #tpu.memory_space<vmem>>
    %dma_start3A_404 = tpu.memref_squeeze %dma_start3A_403 : memref<1x128xi32, #tpu.memory_space<vmem>> -> memref<128xi32, #tpu.memory_space<vmem>>
    %dma_start3A_405 = arith.constant 0 : i32
    %dma_start3A_406 = tpu.memref_slice %arg6[%dma_start3A_400, %dma_start3A_405] : memref<4x128xi32, #tpu.memory_space<vmem>> -> memref<1x128xi32, #tpu.memory_space<vmem>>
    %dma_start3A_407 = tpu.memref_squeeze %dma_start3A_406 : memref<1x128xi32, #tpu.memory_space<vmem>> -> memref<128xi32, #tpu.memory_space<vmem>>
    %dma_start3A_408 = arith.constant 0 : i32
    %dma_start3A_409 = tpu.memref_slice %arg3[%dma_start3A_408] : memref<100514xi32, #tpu.memory_space<hbm>> -> memref<100514xi32, #tpu.memory_space<hbm>>
    tpu.enqueue_indirect_dma source(%dma_start3A_409 : memref<100514xi32, #tpu.memory_space<hbm>>) target(%dma_start3A_404 : memref<128xi32, #tpu.memory_space<vmem>>) offsets(%dma_start3A_407 : memref<128xi32, #tpu.memory_space<vmem>>) semaphore(%arg9 : memref<!tpu.dma_semaphore, #tpu.memory_space<semaphore_mem>>)
    %dma_start3A_410 = arith.constant 2 : i32
    %dma_start3A_411 = arith.constant 2 : i32
    %dma_start3A_412 = arith.constant 0 : i32
    %dma_start3A_413 = tpu.memref_slice %arg8[%dma_start3A_411, %dma_start3A_412] : memref<4x128xi32, #tpu.memory_space<vmem>> -> memref<1x128xi32, #tpu.memory_space<vmem>>
    %dma_start3A_414 = tpu.memref_squeeze %dma_start3A_413 : memref<1x128xi32, #tpu.memory_space<vmem>> -> memref<128xi32, #tpu.memory_space<vmem>>
    %dma_start3A_415 = arith.constant 0 : i32
    %dma_start3A_416 = tpu.memref_slice %arg6[%dma_start3A_410, %dma_start3A_415] : memref<4x128xi32, #tpu.memory_space<vmem>> -> memref<1x128xi32, #tpu.memory_space<vmem>>
    %dma_start3A_417 = tpu.memref_squeeze %dma_start3A_416 : memref<1x128xi32, #tpu.memory_space<vmem>> -> memref<128xi32, #tpu.memory_space<vmem>>
    %dma_start3A_418 = arith.constant 0 : i32
    %dma_start3A_419 = tpu.memref_slice %arg3[%dma_start3A_418] : memref<100514xi32, #tpu.memory_space<hbm>> -> memref<100514xi32, #tpu.memory_space<hbm>>
    tpu.enqueue_indirect_dma source(%dma_start3A_419 : memref<100514xi32, #tpu.memory_space<hbm>>) target(%dma_start3A_414 : memref<128xi32, #tpu.memory_space<vmem>>) offsets(%dma_start3A_417 : memref<128xi32, #tpu.memory_space<vmem>>) semaphore(%arg9 : memref<!tpu.dma_semaphore, #tpu.memory_space<semaphore_mem>>)
    %dma_start3A_420 = arith.constant 3 : i32
    %dma_start3A_421 = arith.constant 3 : i32
    %dma_start3A_422 = arith.constant 0 : i32
    %dma_start3A_423 = tpu.memref_slice %arg8[%dma_start3A_421, %dma_start3A_422] : memref<4x128xi32, #tpu.memory_space<vmem>> -> memref<1x128xi32, #tpu.memory_space<vmem>>
    %dma_start3A_424 = tpu.memref_squeeze %dma_start3A_423 : memref<1x128xi32, #tpu.memory_space<vmem>> -> memref<128xi32, #tpu.memory_space<vmem>>
    %dma_start3A_425 = arith.constant 0 : i32
    %dma_start3A_426 = tpu.memref_slice %arg6[%dma_start3A_420, %dma_start3A_425] : memref<4x128xi32, #tpu.memory_space<vmem>> -> memref<1x128xi32, #tpu.memory_space<vmem>>
    %dma_start3A_427 = tpu.memref_squeeze %dma_start3A_426 : memref<1x128xi32, #tpu.memory_space<vmem>> -> memref<128xi32, #tpu.memory_space<vmem>>
    %dma_start3A_428 = arith.constant 0 : i32
    %dma_start3A_429 = tpu.memref_slice %arg3[%dma_start3A_428] : memref<100514xi32, #tpu.memory_space<hbm>> -> memref<100514xi32, #tpu.memory_space<hbm>>
    tpu.enqueue_indirect_dma source(%dma_start3A_429 : memref<100514xi32, #tpu.memory_space<hbm>>) target(%dma_start3A_424 : memref<128xi32, #tpu.memory_space<vmem>>) offsets(%dma_start3A_427 : memref<128xi32, #tpu.memory_space<vmem>>) semaphore(%arg9 : memref<!tpu.dma_semaphore, #tpu.memory_space<semaphore_mem>>)
    %dma_wait3A = arith.constant 0 : i32
    %dma_wait3A_430 = arith.constant 0 : i32
    %dma_wait3A_431 = arith.constant 0 : i32
    %dma_wait3A_432 = tpu.memref_slice %arg7[%dma_wait3A_430, %dma_wait3A_431] : memref<4x128xi32, #tpu.memory_space<vmem>> -> memref<1x128xi32, #tpu.memory_space<vmem>>
    %dma_wait3A_433 = tpu.memref_squeeze %dma_wait3A_432 : memref<1x128xi32, #tpu.memory_space<vmem>> -> memref<128xi32, #tpu.memory_space<vmem>>
    %dma_wait3A_434 = arith.constant 0 : i32
    %dma_wait3A_435 = tpu.memref_slice %arg5[%dma_wait3A, %dma_wait3A_434] : memref<4x128xi32, #tpu.memory_space<vmem>> -> memref<1x128xi32, #tpu.memory_space<vmem>>
    %dma_wait3A_436 = tpu.memref_squeeze %dma_wait3A_435 : memref<1x128xi32, #tpu.memory_space<vmem>> -> memref<128xi32, #tpu.memory_space<vmem>>
    %dma_wait3A_437 = arith.constant 0 : i32
    %dma_wait3A_438 = tpu.memref_slice %arg3[%dma_wait3A_437] : memref<100514xi32, #tpu.memory_space<hbm>> -> memref<100514xi32, #tpu.memory_space<hbm>>
    tpu.wait_indirect_dma semaphore(%arg9 : memref<!tpu.dma_semaphore, #tpu.memory_space<semaphore_mem>>) src(%dma_wait3A_438 : memref<100514xi32, #tpu.memory_space<hbm>>) dst(%dma_wait3A_433 : memref<128xi32, #tpu.memory_space<vmem>>)
    %dma_wait3A_439 = arith.constant 1 : i32
    %dma_wait3A_440 = arith.constant 1 : i32
    %dma_wait3A_441 = arith.constant 0 : i32
    %dma_wait3A_442 = tpu.memref_slice %arg7[%dma_wait3A_440, %dma_wait3A_441] : memref<4x128xi32, #tpu.memory_space<vmem>> -> memref<1x128xi32, #tpu.memory_space<vmem>>
    %dma_wait3A_443 = tpu.memref_squeeze %dma_wait3A_442 : memref<1x128xi32, #tpu.memory_space<vmem>> -> memref<128xi32, #tpu.memory_space<vmem>>
    %dma_wait3A_444 = arith.constant 0 : i32
    %dma_wait3A_445 = tpu.memref_slice %arg5[%dma_wait3A_439, %dma_wait3A_444] : memref<4x128xi32, #tpu.memory_space<vmem>> -> memref<1x128xi32, #tpu.memory_space<vmem>>
    %dma_wait3A_446 = tpu.memref_squeeze %dma_wait3A_445 : memref<1x128xi32, #tpu.memory_space<vmem>> -> memref<128xi32, #tpu.memory_space<vmem>>
    %dma_wait3A_447 = arith.constant 0 : i32
    %dma_wait3A_448 = tpu.memref_slice %arg3[%dma_wait3A_447] : memref<100514xi32, #tpu.memory_space<hbm>> -> memref<100514xi32, #tpu.memory_space<hbm>>
    tpu.wait_indirect_dma semaphore(%arg9 : memref<!tpu.dma_semaphore, #tpu.memory_space<semaphore_mem>>) src(%dma_wait3A_448 : memref<100514xi32, #tpu.memory_space<hbm>>) dst(%dma_wait3A_443 : memref<128xi32, #tpu.memory_space<vmem>>)
    %dma_wait3A_449 = arith.constant 2 : i32
    %dma_wait3A_450 = arith.constant 2 : i32
    %dma_wait3A_451 = arith.constant 0 : i32
    %dma_wait3A_452 = tpu.memref_slice %arg7[%dma_wait3A_450, %dma_wait3A_451] : memref<4x128xi32, #tpu.memory_space<vmem>> -> memref<1x128xi32, #tpu.memory_space<vmem>>
    %dma_wait3A_453 = tpu.memref_squeeze %dma_wait3A_452 : memref<1x128xi32, #tpu.memory_space<vmem>> -> memref<128xi32, #tpu.memory_space<vmem>>
    %dma_wait3A_454 = arith.constant 0 : i32
    %dma_wait3A_455 = tpu.memref_slice %arg5[%dma_wait3A_449, %dma_wait3A_454] : memref<4x128xi32, #tpu.memory_space<vmem>> -> memref<1x128xi32, #tpu.memory_space<vmem>>
    %dma_wait3A_456 = tpu.memref_squeeze %dma_wait3A_455 : memref<1x128xi32, #tpu.memory_space<vmem>> -> memref<128xi32, #tpu.memory_space<vmem>>
    %dma_wait3A_457 = arith.constant 0 : i32
    %dma_wait3A_458 = tpu.memref_slice %arg3[%dma_wait3A_457] : memref<100514xi32, #tpu.memory_space<hbm>> -> memref<100514xi32, #tpu.memory_space<hbm>>
    tpu.wait_indirect_dma semaphore(%arg9 : memref<!tpu.dma_semaphore, #tpu.memory_space<semaphore_mem>>) src(%dma_wait3A_458 : memref<100514xi32, #tpu.memory_space<hbm>>) dst(%dma_wait3A_453 : memref<128xi32, #tpu.memory_space<vmem>>)
    %dma_wait3A_459 = arith.constant 3 : i32
    %dma_wait3A_460 = arith.constant 3 : i32
    %dma_wait3A_461 = arith.constant 0 : i32
    %dma_wait3A_462 = tpu.memref_slice %arg7[%dma_wait3A_460, %dma_wait3A_461] : memref<4x128xi32, #tpu.memory_space<vmem>> -> memref<1x128xi32, #tpu.memory_space<vmem>>
    %dma_wait3A_463 = tpu.memref_squeeze %dma_wait3A_462 : memref<1x128xi32, #tpu.memory_space<vmem>> -> memref<128xi32, #tpu.memory_space<vmem>>
    %dma_wait3A_464 = arith.constant 0 : i32
    %dma_wait3A_465 = tpu.memref_slice %arg5[%dma_wait3A_459, %dma_wait3A_464] : memref<4x128xi32, #tpu.memory_space<vmem>> -> memref<1x128xi32, #tpu.memory_space<vmem>>
    %dma_wait3A_466 = tpu.memref_squeeze %dma_wait3A_465 : memref<1x128xi32, #tpu.memory_space<vmem>> -> memref<128xi32, #tpu.memory_space<vmem>>
    %dma_wait3A_467 = arith.constant 0 : i32
    %dma_wait3A_468 = tpu.memref_slice %arg3[%dma_wait3A_467] : memref<100514xi32, #tpu.memory_space<hbm>> -> memref<100514xi32, #tpu.memory_space<hbm>>
    tpu.wait_indirect_dma semaphore(%arg9 : memref<!tpu.dma_semaphore, #tpu.memory_space<semaphore_mem>>) src(%dma_wait3A_468 : memref<100514xi32, #tpu.memory_space<hbm>>) dst(%dma_wait3A_463 : memref<128xi32, #tpu.memory_space<vmem>>)
    %dma_wait3A_469 = arith.constant 0 : i32
    %dma_wait3A_470 = arith.constant 0 : i32
    %dma_wait3A_471 = arith.constant 0 : i32
    %dma_wait3A_472 = tpu.memref_slice %arg8[%dma_wait3A_470, %dma_wait3A_471] : memref<4x128xi32, #tpu.memory_space<vmem>> -> memref<1x128xi32, #tpu.memory_space<vmem>>
    %dma_wait3A_473 = tpu.memref_squeeze %dma_wait3A_472 : memref<1x128xi32, #tpu.memory_space<vmem>> -> memref<128xi32, #tpu.memory_space<vmem>>
    %dma_wait3A_474 = arith.constant 0 : i32
    %dma_wait3A_475 = tpu.memref_slice %arg6[%dma_wait3A_469, %dma_wait3A_474] : memref<4x128xi32, #tpu.memory_space<vmem>> -> memref<1x128xi32, #tpu.memory_space<vmem>>
    %dma_wait3A_476 = tpu.memref_squeeze %dma_wait3A_475 : memref<1x128xi32, #tpu.memory_space<vmem>> -> memref<128xi32, #tpu.memory_space<vmem>>
    %dma_wait3A_477 = arith.constant 0 : i32
    %dma_wait3A_478 = tpu.memref_slice %arg3[%dma_wait3A_477] : memref<100514xi32, #tpu.memory_space<hbm>> -> memref<100514xi32, #tpu.memory_space<hbm>>
    tpu.wait_indirect_dma semaphore(%arg9 : memref<!tpu.dma_semaphore, #tpu.memory_space<semaphore_mem>>) src(%dma_wait3A_478 : memref<100514xi32, #tpu.memory_space<hbm>>) dst(%dma_wait3A_473 : memref<128xi32, #tpu.memory_space<vmem>>)
    %dma_wait3A_479 = arith.constant 1 : i32
    %dma_wait3A_480 = arith.constant 1 : i32
    %dma_wait3A_481 = arith.constant 0 : i32
    %dma_wait3A_482 = tpu.memref_slice %arg8[%dma_wait3A_480, %dma_wait3A_481] : memref<4x128xi32, #tpu.memory_space<vmem>> -> memref<1x128xi32, #tpu.memory_space<vmem>>
    %dma_wait3A_483 = tpu.memref_squeeze %dma_wait3A_482 : memref<1x128xi32, #tpu.memory_space<vmem>> -> memref<128xi32, #tpu.memory_space<vmem>>
    %dma_wait3A_484 = arith.constant 0 : i32
    %dma_wait3A_485 = tpu.memref_slice %arg6[%dma_wait3A_479, %dma_wait3A_484] : memref<4x128xi32, #tpu.memory_space<vmem>> -> memref<1x128xi32, #tpu.memory_space<vmem>>
    %dma_wait3A_486 = tpu.memref_squeeze %dma_wait3A_485 : memref<1x128xi32, #tpu.memory_space<vmem>> -> memref<128xi32, #tpu.memory_space<vmem>>
    %dma_wait3A_487 = arith.constant 0 : i32
    %dma_wait3A_488 = tpu.memref_slice %arg3[%dma_wait3A_487] : memref<100514xi32, #tpu.memory_space<hbm>> -> memref<100514xi32, #tpu.memory_space<hbm>>
    tpu.wait_indirect_dma semaphore(%arg9 : memref<!tpu.dma_semaphore, #tpu.memory_space<semaphore_mem>>) src(%dma_wait3A_488 : memref<100514xi32, #tpu.memory_space<hbm>>) dst(%dma_wait3A_483 : memref<128xi32, #tpu.memory_space<vmem>>)
    %dma_wait3A_489 = arith.constant 2 : i32
    %dma_wait3A_490 = arith.constant 2 : i32
    %dma_wait3A_491 = arith.constant 0 : i32
    %dma_wait3A_492 = tpu.memref_slice %arg8[%dma_wait3A_490, %dma_wait3A_491] : memref<4x128xi32, #tpu.memory_space<vmem>> -> memref<1x128xi32, #tpu.memory_space<vmem>>
    %dma_wait3A_493 = tpu.memref_squeeze %dma_wait3A_492 : memref<1x128xi32, #tpu.memory_space<vmem>> -> memref<128xi32, #tpu.memory_space<vmem>>
    %dma_wait3A_494 = arith.constant 0 : i32
    %dma_wait3A_495 = tpu.memref_slice %arg6[%dma_wait3A_489, %dma_wait3A_494] : memref<4x128xi32, #tpu.memory_space<vmem>> -> memref<1x128xi32, #tpu.memory_space<vmem>>
    %dma_wait3A_496 = tpu.memref_squeeze %dma_wait3A_495 : memref<1x128xi32, #tpu.memory_space<vmem>> -> memref<128xi32, #tpu.memory_space<vmem>>
    %dma_wait3A_497 = arith.constant 0 : i32
    %dma_wait3A_498 = tpu.memref_slice %arg3[%dma_wait3A_497] : memref<100514xi32, #tpu.memory_space<hbm>> -> memref<100514xi32, #tpu.memory_space<hbm>>
    tpu.wait_indirect_dma semaphore(%arg9 : memref<!tpu.dma_semaphore, #tpu.memory_space<semaphore_mem>>) src(%dma_wait3A_498 : memref<100514xi32, #tpu.memory_space<hbm>>) dst(%dma_wait3A_493 : memref<128xi32, #tpu.memory_space<vmem>>)
    %dma_wait3A_499 = arith.constant 3 : i32
    %dma_wait3A_500 = arith.constant 3 : i32
    %dma_wait3A_501 = arith.constant 0 : i32
    %dma_wait3A_502 = tpu.memref_slice %arg8[%dma_wait3A_500, %dma_wait3A_501] : memref<4x128xi32, #tpu.memory_space<vmem>> -> memref<1x128xi32, #tpu.memory_space<vmem>>
    %dma_wait3A_503 = tpu.memref_squeeze %dma_wait3A_502 : memref<1x128xi32, #tpu.memory_space<vmem>> -> memref<128xi32, #tpu.memory_space<vmem>>
    %dma_wait3A_504 = arith.constant 0 : i32
    %dma_wait3A_505 = tpu.memref_slice %arg6[%dma_wait3A_499, %dma_wait3A_504] : memref<4x128xi32, #tpu.memory_space<vmem>> -> memref<1x128xi32, #tpu.memory_space<vmem>>
    %dma_wait3A_506 = tpu.memref_squeeze %dma_wait3A_505 : memref<1x128xi32, #tpu.memory_space<vmem>> -> memref<128xi32, #tpu.memory_space<vmem>>
    %dma_wait3A_507 = arith.constant 0 : i32
    %dma_wait3A_508 = tpu.memref_slice %arg3[%dma_wait3A_507] : memref<100514xi32, #tpu.memory_space<hbm>> -> memref<100514xi32, #tpu.memory_space<hbm>>
    tpu.wait_indirect_dma semaphore(%arg9 : memref<!tpu.dma_semaphore, #tpu.memory_space<semaphore_mem>>) src(%dma_wait3A_508 : memref<100514xi32, #tpu.memory_space<hbm>>) dst(%dma_wait3A_503 : memref<128xi32, #tpu.memory_space<vmem>>)
    %dma_start3A_509 = arith.constant 0 : i32
    %dma_start3A_510 = arith.constant 0 : i32
    %dma_start3A_511 = arith.constant 0 : i32
    %dma_start3A_512 = tpu.memref_slice %arg4[%dma_start3A_510, %add3A, %dma_start3A_509, %dma_start3A_511] : memref<4x32x2x128xi32, #tpu.memory_space<hbm>> -> memref<4x1x1x128xi32, #tpu.memory_space<hbm>>
    %dma_start3A_513 = tpu.memref_squeeze %dma_start3A_512 : memref<4x1x1x128xi32, #tpu.memory_space<hbm>> -> memref<4x128xi32, #tpu.memory_space<hbm>>
    %dma_start3A_514 = arith.constant 0 : i32
    %dma_start3A_515 = arith.constant 0 : i32
    %dma_start3A_516 = tpu.memref_slice %arg4[%dma_start3A_514, %add3A, %dma_start3A_509, %dma_start3A_515] : memref<4x32x2x128xi32, #tpu.memory_space<hbm>> -> memref<4x1x1x128xi32, #tpu.memory_space<hbm>>
    %dma_start3A_517 = tpu.memref_squeeze %dma_start3A_516 : memref<4x1x1x128xi32, #tpu.memory_space<hbm>> -> memref<4x128xi32, #tpu.memory_space<hbm>>
    tpu.enqueue_dma source(%arg7 : memref<4x128xi32, #tpu.memory_space<vmem>>) target(%dma_start3A_517 : memref<4x128xi32, #tpu.memory_space<hbm>>) target_semaphore(%arg10 : memref<!tpu.dma_semaphore, #tpu.memory_space<semaphore_mem>>)
    %dma_start3A_518 = arith.constant 1 : i32
    %dma_start3A_519 = arith.constant 0 : i32
    %dma_start3A_520 = arith.constant 0 : i32
    %dma_start3A_521 = tpu.memref_slice %arg4[%dma_start3A_519, %add3A, %dma_start3A_518, %dma_start3A_520] : memref<4x32x2x128xi32, #tpu.memory_space<hbm>> -> memref<4x1x1x128xi32, #tpu.memory_space<hbm>>
    %dma_start3A_522 = tpu.memref_squeeze %dma_start3A_521 : memref<4x1x1x128xi32, #tpu.memory_space<hbm>> -> memref<4x128xi32, #tpu.memory_space<hbm>>
    %dma_start3A_523 = arith.constant 0 : i32
    %dma_start3A_524 = arith.constant 0 : i32
    %dma_start3A_525 = tpu.memref_slice %arg4[%dma_start3A_523, %add3A, %dma_start3A_518, %dma_start3A_524] : memref<4x32x2x128xi32, #tpu.memory_space<hbm>> -> memref<4x1x1x128xi32, #tpu.memory_space<hbm>>
    %dma_start3A_526 = tpu.memref_squeeze %dma_start3A_525 : memref<4x1x1x128xi32, #tpu.memory_space<hbm>> -> memref<4x128xi32, #tpu.memory_space<hbm>>
    tpu.enqueue_dma source(%arg8 : memref<4x128xi32, #tpu.memory_space<vmem>>) target(%dma_start3A_526 : memref<4x128xi32, #tpu.memory_space<hbm>>) target_semaphore(%arg10 : memref<!tpu.dma_semaphore, #tpu.memory_space<semaphore_mem>>)
    %dma_wait3A_527 = arith.constant 0 : i32
    %dma_wait3A_528 = arith.constant 0 : i32
    %dma_wait3A_529 = arith.constant 0 : i32
    %dma_wait3A_530 = tpu.memref_slice %arg4[%dma_wait3A_528, %add3A, %dma_wait3A_527, %dma_wait3A_529] : memref<4x32x2x128xi32, #tpu.memory_space<hbm>> -> memref<4x1x1x128xi32, #tpu.memory_space<hbm>>
    %dma_wait3A_531 = tpu.memref_squeeze %dma_wait3A_530 : memref<4x1x1x128xi32, #tpu.memory_space<hbm>> -> memref<4x128xi32, #tpu.memory_space<hbm>>
    %dma_wait3A_532 = arith.constant 0 : i32
    %dma_wait3A_533 = arith.constant 0 : i32
    %dma_wait3A_534 = tpu.memref_slice %arg4[%dma_wait3A_532, %add3A, %dma_wait3A_527, %dma_wait3A_533] : memref<4x32x2x128xi32, #tpu.memory_space<hbm>> -> memref<4x1x1x128xi32, #tpu.memory_space<hbm>>
    %dma_wait3A_535 = tpu.memref_squeeze %dma_wait3A_534 : memref<4x1x1x128xi32, #tpu.memory_space<hbm>> -> memref<4x128xi32, #tpu.memory_space<hbm>>
    tpu.wait_dma2 semaphore(%arg10 : memref<!tpu.dma_semaphore, #tpu.memory_space<semaphore_mem>>) src(%arg7 : memref<4x128xi32, #tpu.memory_space<vmem>>) dst(%dma_wait3A_535 : memref<4x128xi32, #tpu.memory_space<hbm>>)
    %dma_wait3A_536 = arith.constant 1 : i32
    %dma_wait3A_537 = arith.constant 0 : i32
    %dma_wait3A_538 = arith.constant 0 : i32
    %dma_wait3A_539 = tpu.memref_slice %arg4[%dma_wait3A_537, %add3A, %dma_wait3A_536, %dma_wait3A_538] : memref<4x32x2x128xi32, #tpu.memory_space<hbm>> -> memref<4x1x1x128xi32, #tpu.memory_space<hbm>>
    %dma_wait3A_540 = tpu.memref_squeeze %dma_wait3A_539 : memref<4x1x1x128xi32, #tpu.memory_space<hbm>> -> memref<4x128xi32, #tpu.memory_space<hbm>>
    %dma_wait3A_541 = arith.constant 0 : i32
    %dma_wait3A_542 = arith.constant 0 : i32
    %dma_wait3A_543 = tpu.memref_slice %arg4[%dma_wait3A_541, %add3A, %dma_wait3A_536, %dma_wait3A_542] : memref<4x32x2x128xi32, #tpu.memory_space<hbm>> -> memref<4x1x1x128xi32, #tpu.memory_space<hbm>>
    %dma_wait3A_544 = tpu.memref_squeeze %dma_wait3A_543 : memref<4x1x1x128xi32, #tpu.memory_space<hbm>> -> memref<4x128xi32, #tpu.memory_space<hbm>>
    tpu.wait_dma2 semaphore(%arg10 : memref<!tpu.dma_semaphore, #tpu.memory_space<semaphore_mem>>) src(%arg8 : memref<4x128xi32, #tpu.memory_space<vmem>>) dst(%dma_wait3A_544 : memref<4x128xi32, #tpu.memory_space<hbm>>)
    return
  }
}

</mosaic_0001>

<sc_bundles>
// kernel: _route.3.cloned.1.call-start
scs
__scs_entry_jumppad:
0x0: {  	(pc) =	sbr.rel $0x88, $3  }
0x1: {  	(tag) =	ssettag $0x0;
	lr =	simm.s32 $0x1  }
0x2: {  	[smem:$0x3F9F] =	sst lr;
	_ =	strace $0xD0000000  }
0x3: {  	_ = 	snop  }
0x4: {  	_ = 	snop  }
0x5: {  	_ = 	snop  }
0x6: {  	_ = 	snop  }
0x7: {  	_ = 	snop  }
__scs_overlays_trampoline_lowered:
0x8: {  	[smem:$0x3FAE] =	sst s0  }
0x9: {  	[smem:$0x3FAF] =	sst s1  }
0xa: {  	[smem:$0x3FB0] =	sst s2  }
0xb: {  	[smem:$0x3FB1] =	sst s3  }
0xc: {  	[smem:$0x3FB2] =	sst s4  }
0xd: {  	[smem:$0x3FB3] =	sst s5  }
0xe: {  	[smem:$0x3FB4] =	sst s6  }
0xf: {  	[smem:$0x3FB5] =	sst s7  }
0x10: {  	[smem:$0x3FB6] =	sst s8  }
0x11: {  	[smem:$0x3FB7] =	sst s9;
	s0 =	simm.s32 @!p0 $0x0  }
0x12: {  	s1 =	sld [smem:$0x3F9D];
	s0 =	simm.s32 @p0 $0x1  }
0x13: {  	[smem:$0x3FB8] =	sst s0;
	s0 =	simm.s32 @!p1 $0x0  }
0x14: {  	s2 =	sld [smem:$0x3F9C];
	s0 =	simm.s32 @p1 $0x1  }
0x15: {  	[smem:$0x3FB9] =	sst s0;
	s0 =	simm.s32 @!p2 $0x0  }
0x16: {  	s3 =	sld [smem:$0x3FDB];
	s0 =	simm.s32 @p2 $0x1  }
0x17: {  	s4 =	simm.s32 $0x1BF5;
	[smem:$0x3FBB] =	sst s0  }
0x18: {  	s0 =	sld [smem:$0x3F9E];
	_ =	swait.ge [sflag:s4], $0x0  }
0x19: {  	s7 =	sld [smem:$0x3F9F]  }
0x1a: {  	s8 =	sadd.s32 $0xFFFFE003, lr  }
0x1b: {  	s9 =	sadd.s32 $0xFFFFFEF7, lr;
	s5 =	simm.s32 $0xFFFFFFFF;
	p2 =	slt.u32 s8, $0xFFFFF086  }
0x1c: {  	p1 =	slt.u32 s9, $0xF7A;
	s5 =	simm.s32 @!p2 $0x0  }
0x1d: {  	s5 =	simm.s32 @p1 $0x1;
	p0 =	seq.s32 s7, s2  }
0x1e: {  	s7 =	smul.u32 @!p0 $0xF7A, s2;
	p2 =	seq.s32 @!p0 s5, $0x0  }
0x1f: {  	s9 =	smul.u32 $0xF7A, s1;
	s8 =	simm.s32 @!p0 $0x1BF5;
	p2 =	por !p2, p0  }
0x20: {  	[sflag:s8] =	ssyncset.s32 @!p0 $0xFFFFF086;
	s6 =	sadd.s32 @!p0 s3, s7;
	s7 =	simm.s32 @!p0 $0x108  }
0x21: {  	s3 =	sadd.s32 s3, s9;
	s6 =	sadd.s32 @!p0 $0x88, s6;
	s7 =	simm.s32 @p2 $0x1082  }
0x22: {  	[simem:s7], [sflag:s8] =	dma.local @!p0 [hbm:s6], $0xF7A  }
0x23: {  	s9 =	sor.u32 $0xD0000000, s2;
	s6 =	simm.s32 $0x108;
	_ =	swait.ge @!p0 [sflag:s8], $0x0  }
0x24: {  	s3 =	sadd.s32 $0x88, s3;
	s6 =	simm.s32 @!p1 $0x1082;
	[sflag:s4] =	ssyncset.s32 $0xFFFFF086  }
0x25: {  	[simem:s6], [sflag:s4] =	dma.local [hbm:s3], $0xF7A  }
0x26: {  	[smem:$0x3F9F] =	sst s1;
	(tag) =	ssettag s2;
	_ =	strace s9  }
0x27: {  	s1 =	sld [smem:$0x3FAF]  }
0x28: {  	s2 =	sld [smem:$0x3FB0]  }
0x29: {  	s4 =	sld [smem:$0x3FB2]  }
0x2a: {  	p0 =	seq.s32 s5, $0x0;
	s5 =	sld [smem:$0x3FB3]  }
0x2b: {  	s6 =	sld [smem:$0x3FB4]  }
0x2c: {  	s7 =	sld [smem:$0x3FB5]  }
0x2d: {  	s3 =	simm.s32 $0x108;
	s8 =	sld [smem:$0x3FB6]  }
0x2e: {  	s3 =	simm.s32 @!p0 $0x1082;
	s9 =	sld [smem:$0x3FB7]  }
0x2f: {  	lr =	sadd.s32 s0, s3;
	s0 =	sld [smem:$0x3FAE]  }
0x30: {  	s3 =	sld [smem:$0x3FB1]  }
0x31: {  	[smem:$0x3FBA] =	sst s10  }
0x32: {  	s10 =	sld [smem:$0x3FB8];
	_ =	sdelay $0x3  }
0x33: {  	p0 =	seq.s32 s10, $0x1;
	s10 =	sld [smem:$0x3FBA];
	_ =	sdelay $0x3  }
0x34: {  	[smem:$0x3FBA] =	sst s10  }
0x35: {  	s10 =	sld [smem:$0x3FB9];
	_ =	sdelay $0x3  }
0x36: {  	p1 =	seq.s32 s10, $0x1;
	s10 =	sld [smem:$0x3FBA];
	_ =	sdelay $0x3  }
0x37: {  	[smem:$0x3FBA] =	sst s10  }
0x38: {  	s10 =	sld [smem:$0x3FBB]  }
0x39: {  	_ = 	snop;
	(pc) =	sbr.ind lr, $3  }
0x3a: {  	_ = 	snop  }
0x3b: {  	_ = 	snop  }
0x3c: {  	p2 =	seq.s32 s10, $0x1;
	s10 =	sld [smem:$0x3FBA]  }
0x3d: {  	_ =	shalt  }
0x3e: {  	_ =	shalt  }
0x3f: {  	_ =	shalt  }
0x40: {  	_ =	shalt  }
0x41: {  	_ =	shalt  }
0x42: {  	_ =	shalt  }
0x43: {  	_ =	shalt  }
0x44: {  	_ =	shalt  }
0x45: {  	_ =	shalt  }
0x46: {  	_ =	shalt  }
0x47: {  	_ =	shalt  }
0x48: {  	_ =	shalt  }
0x49: {  	_ =	shalt  }
0x4a: {  	_ =	shalt  }
0x4b: {  	_ =	shalt  }
0x4c: {  	_ =	shalt  }
0x4d: {  	_ =	shalt  }
0x4e: {  	_ =	shalt  }
0x4f: {  	_ =	shalt  }
0x50: {  	_ =	shalt  }
0x51: {  	_ =	shalt  }
0x52: {  	_ =	shalt  }
0x53: {  	_ =	shalt  }
0x54: {  	_ =	shalt  }
0x55: {  	_ =	shalt  }
0x56: {  	_ =	shalt  }
0x57: {  	_ =	shalt  }
0x58: {  	_ =	shalt  }
0x59: {  	_ =	shalt  }
0x5a: {  	_ =	shalt  }
0x5b: {  	_ =	shalt  }
0x5c: {  	_ =	shalt  }
0x5d: {  	_ =	shalt  }
0x5e: {  	_ =	shalt  }
0x5f: {  	_ =	shalt  }
0x60: {  	_ =	shalt  }
0x61: {  	_ =	shalt  }
0x62: {  	_ =	shalt  }
0x63: {  	_ =	shalt  }
0x64: {  	_ =	shalt  }
0x65: {  	_ =	shalt  }
0x66: {  	_ =	shalt  }
0x67: {  	_ =	shalt  }
0x68: {  	_ =	shalt  }
0x69: {  	_ =	shalt  }
0x6a: {  	_ =	shalt  }
0x6b: {  	_ =	shalt  }
0x6c: {  	_ =	shalt  }
0x6d: {  	_ =	shalt  }
0x6e: {  	_ =	shalt  }
0x6f: {  	_ =	shalt  }
0x70: {  	_ =	shalt  }
0x71: {  	_ =	shalt  }
0x72: {  	_ =	shalt  }
0x73: {  	_ =	shalt  }
0x74: {  	_ =	shalt  }
0x75: {  	_ =	shalt  }
0x76: {  	_ =	shalt  }
0x77: {  	_ =	shalt  }
0x78: {  	_ =	shalt  }
0x79: {  	_ =	shalt  }
0x7a: {  	_ =	shalt  }
0x7b: {  	_ =	shalt  }
0x7c: {  	_ =	shalt  }
0x7d: {  	_ =	shalt  }
0x7e: {  	_ =	shalt  }
0x7f: {  	_ =	shalt  }
0x80: {  	_ =	shalt  }
0x81: {  	_ =	shalt  }
0x82: {  	_ =	shalt  }
0x83: {  	_ =	shalt  }
0x84: {  	_ =	shalt  }
0x85: {  	_ =	shalt  }
0x86: {  	_ =	shalt  }
0x87: {  	_ =	shalt  }
.Lfunc_end0:
.L_simem_size_0:
called_computation_lowered:
.L_overlay_start_0:
0x88: {  	s2 =	sld [smem:$0x3FD9]  }
0x89: {  	s3 =	sld [smem:$0x3FFE];
	_ =	sdelay $0x1  }
0x8a: {  	s1 =	srdreg.scid  }
0x8b: {  	s0 =	sand.u32 $0x1, s1  }
0x8c: {  	s18 =	sshll.u32 s0, $0xA;
	s2 =	sadd.s32 s3, s2  }
0x8d: {  	s2 =	sadd.s32 s2, s18  }
0x8e: {  	[smem:$0x3FC6] =	sst s2  }
0x8f: {  	_ = 	snop  }
0x90: {  	s2 =	sld [smem:$0x3FC9]  }
0x91: {  	s19 =	sld [smem:$0x3FC8]  }
0x92: {  	s4 =	sld [smem:$0x3FD0];
	(tm) =	ssettm $0x1  }
0x93: {  	s5 =	sld [smem:$0x3FFB];
	_ =	sdelay $0x3  }
0x94: {  	_ =	strace s5  }
0x95: {  	s5 =	sld [smem:$0x3FFC];
	_ =	sdelay $0x3  }
0x96: {  	_ =	strace s5  }
0x97: {  	s5 =	sld [smem:$0x3FFD];
	_ =	sdelay $0x3  }
0x98: {  	_ =	strace s5  }
0x99: {  	_ =	strace $0x8FFFFFFF  }
0x9a: {  	s20 =	sld [smem:$0x3FDB];
	_ =	sdelay $0x1  }
0x9b: {  	s6 =	simm.s32 $_scs_section_size  }
0x9c: {  	s7 =	simm.s32 $_size__tile_overlayer_lowered;
	s8 =	simm.s32 $_tile_overlayer_lowered  }
0x9d: {  	s23 =	simm.s32 $0x1BFF;
	s22 =	sshll.u32 s8, $0x1;
	s5 =	sadd.s32 s6, s20  }
0x9e: {  	s9 =	simm.s32 $0x0;
	s21 =	sshll.u32 s7, $0x1;
	s7 =	sadd.s32 s22, s5  }
0x9f: {  	[timem:s9], [sflag:s23] =	dma.local [hbm:s7], s21  }
0xa0: {  	_ =	swait.ge [sflag:s23], s21  }
0xa1: {  	s6 =	ssub.s32 $0x0, s21;
	[sflag:s23] =	ssyncset.done $0x0  }
0xa2: {  	[sflag:s23] =	ssyncadd.s32 s6;
	_ =	sdelay $0x1  }
0xa3: {  	s24 =	simm.s32 $0x1B8B  }
0xa4: {  	_ =	swait.ge [sflag:s24], $0x1  }
0xa5: {  	[sflag:s24] =	ssyncset.done $0x0  }
0xa6: {  	s25 =	simm.s32 $0x1B8E;
	[sflag:s24] =	ssyncadd.s32 $0xFFFFFFFF  }
0xa7: {  	s26 =	simm.s32 $execute0_lowered;
	[smem:$0x3FD2] =	sst s25  }
0xa8: {  	s6 =	sshll.u32 s26, $0x1;
	_ =	strace $0x80000046;
	[dreg:$0x1] =	wrdreg $0xFFFFFFFF  }
0xa9: {  	s28 =	simm.s32 $_size_execute0_lowered;
	s5 =	sadd.s32 s5, s6;
	[dreg:$0x0] =	wrdreg $0x0  }
0xaa: {  	s6 =	sshll.u32 s28, $0x1;
	[dreg:$0x2] =	wrdreg s5  }
0xab: {  	[dreg:$0x3] =	wrdreg s6  }
0xac: {  	[dreg:$0x4] =	wrdreg $0xC0  }
0xad: {  	_ =	task [dreg:s9], $0x5FFFF  }
0xae: {  	[dreg:$0x1] =	wrdreg $0xFFFFFFFF  }
0xaf: {  	[dreg:$0x0] =	wrdreg $0x60  }
0xb0: {  	[dreg:$0x2] =	wrdreg s2  }
0xb1: {  	[dreg:$0x3] =	wrdreg s19  }
0xb2: {  	[dreg:$0x4] =	wrdreg s4  }
0xb3: {  	[dreg:$0x5] =	wrdreg $0x9  }
0xb4: {  	_ =	task.clear_ibuf [dreg:s9], $0x6FFFF;
	_ =	strace $0x90000046  }
0xb5: {  	s29 =	simm.s32 $0x9;
	_ =	strace $0x80000048  }
0xb6: {  	_ =	swait.ge [sflag:s29], $0x1  }
0xb7: {  	[sflag:s29] =	ssyncadd.s32 $0xFFFFFFFF  }
0xb8: {  	_ =	strace $0x90000048  }
0xb9: {  	_ =	sfence  }
0xba: {  	s30 =	sld [smem:$0x0];
	_ =	sdelay $0x2  }
0xbb: {  	s31 =	sshll.u32 s1, $0xD;
	s1 =	sshrl.u32 s1, $0x2  }
0xbc: {  	s3 =	sand.u32 $0x4000, s31;
	s1 =	sadd.s32 s1, s30  }
0xbd: {  	s0 =	sor.u32 s3, s0;
	s1 =	sshll.u32 s1, $0x11  }
0xbe: {  	s0 =	sor.u32 s1, s0  }
0xbf: {  	s0 =	sadd.s32 $0x8F2B, s0  }
0xc0: {  	[sflag:s0] =	ssyncadd.remote.s32 $0x1  }
0xc1: {  	_ =	sfence.sel $0xFFFF  }
0xc2: {  	[dreg:$0x0] =	wrdreg $0xFFFFFFFF;
	(pc) =	sbr.abs _section_cstart, $3  }
0xc3: {  	[dreg:$0x1] =	wrdreg $0xFFFFFFFF  }
0xc4: {  	_ =	task.clear_ibuf [dreg:s9], $0x2FFFF;
	_ =	strace $0x9FFFFFFF  }
0xc5: {  	(tm) =	ssettm $0x7FFFFFFF  }
tec
execute0_lowered:
.L_overlay_start_1:
0x0: {  	(tag) =	ssettag $0x1  }
0x1: {  	s2 =	rddreg [dreg:$0x0]  }
0x2: {  	s1 =	srdreg.scid;
	s0 =	stileid.u32  }
0x3: {  	s4 =	rddreg [dreg:$0x1];
	s15 =	sand.u32 $0x1, s1;
	s3 =	sshll.u32 s0, $0x1  }
0x4: {  	s14 =	rddreg [dreg:$0x2];
	s5 =	simm.s32 $0x0;
	s13 =	sor.u32 s15, s3  }
0x5: {  	s7 =	simm.s32 $0x3;
	[smem:$0x7FF] =	sst s5;
	s3 =	sshll.u32 s13, $0x6  }
0x6: {  	s1 =	rddreg [dreg:$0x3];
	_ =	strace $0x80000047;
	s6 =	sadd.s32 s2, s3  }
0x7: {  	[tilespmem:s5], [sflag:$0x3] =	stream.linear.gather [hbm4b:s6+s5], $0x200, $0x38;
	[tilespmem:$0x800] =	vst v63  }
0x8: {  	_ =	swait.ge [sflag:s7], $0x200  }
0x9: {  	[sflag:s7] =	ssyncset.done $0x0  }
0xa: {  	s2 =	simm.s32 $0x80;
	s3 =	simm.s32 $0x400;
	[sflag:s7] =	ssyncadd.s32 $0xFFFFFE00  }
0xb: {  	[tilespmem:s3], [sflag:$0x1] =	stream.indirect.gather [hbm4b:s4+s2], $0x1, s5, s2, $0xb8;
	[tilespmem:$0x800] =	vst v63  }
0xc: {  	s8 =	simm.s32 $0x480  }
0xd: {  	[tilespmem:s8], [sflag:$0x1] =	stream.indirect.gather [hbm4b:s4+s2], $0x1, s2, s2, $0xb8;
	[tilespmem:$0x800] =	vst v63  }
0xe: {  	s9 =	simm.s32 $0x100;
	s10 =	simm.s32 $0x500  }
0xf: {  	[tilespmem:s10], [sflag:$0x1] =	stream.indirect.gather [hbm4b:s4+s2], $0x1, s9, s2, $0xb8;
	[tilespmem:$0x800] =	vst v63  }
0x10: {  	s11 =	simm.s32 $0x180;
	s12 =	simm.s32 $0x580  }
0x11: {  	[tilespmem:s12], [sflag:$0x1] =	stream.indirect.gather [hbm4b:s4+s2], $0x1, s11, s2, $0xb8;
	[tilespmem:$0x800] =	vst v63  }
0x12: {  	v0 =	vld [tilespmem:$0x1F0]  }
0x13: {  	v1 =	vld [tilespmem:$0x1E0]  }
0x14: {  	v2 =	vld [tilespmem:$0x160]  }
0x15: {  	v3 =	vld [tilespmem:$0x1D0]  }
0x16: {  	v4 =	vld [tilespmem:$0x1C0]  }
0x17: {  	v5 =	vld [tilespmem:$0x1B0];
	v0 =	vadd.s32 $0xC451, v0  }
0x18: {  	v6 =	vld [tilespmem:$0x190];
	v1 =	vadd.s32 $0xC451, v1;
	[tilespmem:$0x3F0] =	vst v0  }
0x19: {  	v31 =	vld [tilespmem:$0x180];
	v30 =	vadd.s32 $0xC451, v2;
	[tilespmem:$0x3E0] =	vst v1  }
0x1a: {  	v34 =	vld [tilespmem:$0xE0];
	v33 =	vadd.s32 $0xC451, v3;
	[tilespmem:$0x360] =	vst v30  }
0x1b: {  	v40 =	vld [tilespmem:$0x100];
	v4 =	vadd.s32 $0xC451, v4;
	[tilespmem:$0x3D0] =	vst v33  }
0x1c: {  	v50 =	vld [tilespmem:$0x50];
	v5 =	vadd.s32 $0xC451, v5;
	[tilespmem:$0x3C0] =	vst v4  }
0x1d: {  	v51 =	vld [tilespmem:$0x40];
	v6 =	vadd.s32 $0xC451, v6;
	[tilespmem:$0x3B0] =	vst v5  }
0x1e: {  	v52 =	vld [tilespmem:$0x1A0];
	v2 =	vadd.s32 $0xC451, v31;
	[tilespmem:$0x390] =	vst v6  }
0x1f: {  	v53 =	vld [tilespmem:$0x20];
	v39 =	vadd.s32 $0xC451, v34;
	[tilespmem:$0x380] =	vst v2  }
0x20: {  	v54 =	vld [tilespmem:$0x10];
	v3 =	vadd.s32 $0xC451, v40;
	[tilespmem:$0x2E0] =	vst v39  }
0x21: {  	v59 =	vld [tilespmem:$0x0];
	v55 =	vadd.s32 $0xC451, v50;
	[tilespmem:$0x300] =	vst v3  }
0x22: {  	v32 =	vld [tilespmem:$0x170];
	v57 =	vadd.s32 $0xC451, v51;
	[tilespmem:$0x250] =	vst v55  }
0x23: {  	v35 =	vld [tilespmem:$0x150];
	v60 =	vadd.s32 $0xC451, v52;
	[tilespmem:$0x240] =	vst v57  }
0x24: {  	v36 =	vld [tilespmem:$0x140];
	v61 =	vadd.s32 $0xC451, v53;
	[tilespmem:$0x3A0] =	vst v60  }
0x25: {  	v37 =	vld [tilespmem:$0x130];
	v62 =	vadd.s32 $0xC451, v54;
	[tilespmem:$0x220] =	vst v61  }
0x26: {  	v38 =	vld [tilespmem:$0x110];
	v63 =	vadd.s32 $0xC451, v59;
	[tilespmem:$0x210] =	vst v62  }
0x27: {  	v42 =	vld [tilespmem:$0x30];
	v0 =	vadd.s32 $0xC451, v32;
	[tilespmem:$0x200] =	vst v63  }
0x28: {  	v47 =	vld [tilespmem:$0x90];
	v1 =	vadd.s32 $0xC451, v35;
	[tilespmem:$0x370] =	vst v0  }
0x29: {  	v41 =	vld [tilespmem:$0xF0];
	v4 =	vadd.s32 $0xC451, v36;
	[tilespmem:$0x350] =	vst v1  }
0x2a: {  	v43 =	vld [tilespmem:$0xD0];
	v5 =	vadd.s32 $0xC451, v37;
	[tilespmem:$0x340] =	vst v4  }
0x2b: {  	v44 =	vld [tilespmem:$0xC0];
	v6 =	vadd.s32 $0xC451, v38;
	[tilespmem:$0x330] =	vst v5  }
0x2c: {  	v45 =	vld [tilespmem:$0xB0];
	v2 =	vadd.s32 $0xC451, v42;
	[tilespmem:$0x310] =	vst v6  }
0x2d: {  	v46 =	vld [tilespmem:$0xA0];
	v3 =	vadd.s32 $0xC451, v47;
	[tilespmem:$0x230] =	vst v2  }
0x2e: {  	v49 =	vld [tilespmem:$0x60];
	v0 =	vadd.s32 $0xC451, v41;
	[tilespmem:$0x290] =	vst v3  }
0x2f: {  	v48 =	vld [tilespmem:$0x80];
	v1 =	vadd.s32 $0xC451, v43;
	[tilespmem:$0x2F0] =	vst v0  }
0x30: {  	v56 =	vld [tilespmem:$0x120];
	v4 =	vadd.s32 $0xC451, v44;
	[tilespmem:$0x2D0] =	vst v1  }
0x31: {  	v58 =	vld [tilespmem:$0x70];
	v5 =	vadd.s32 $0xC451, v45;
	[tilespmem:$0x2C0] =	vst v4  }
0x32: {  	v6 =	vadd.s32 $0xC451, v46;
	[tilespmem:$0x2B0] =	vst v5  }
0x33: {  	v2 =	vadd.s32 $0xC451, v49;
	[tilespmem:$0x2A0] =	vst v6  }
0x34: {  	s15 =	ssub.s32 $0x2, s15;
	v0 =	vadd.s32 $0xC451, v48;
	[tilespmem:$0x260] =	vst v2  }
0x35: {  	s19 =	simm.s32 $0x200;
	s20 =	simm.s32 $0x280;
	s16 =	sshrl.u32 s15, $0x1;
	v1 =	vadd.s32 $0xC451, v56;
	[tilespmem:$0x280] =	vst v0  }
0x36: {  	s21 =	simm.s32 $0x680;
	s22 =	simm.s32 $0x300;
	s16 =	ssub.s32 s15, s16;
	v0 =	vadd.s32 $0xC451, v58;
	[tilespmem:$0x320] =	vst v1  }
0x37: {  	s31 =	sshll.u32 s13, $0x5;
	s13 =	simm.s32 $0x600;
	s16 =	smax.u32 s16, $0x1;
	[tilespmem:$0x270] =	vst v0  }
0x38: {  	[tilespmem:s13], [sflag:$0x1] =	stream.indirect.gather [hbm4b:s4+s2], $0x1, s19, s2, $0xb8;
	[tilespmem:$0x800] =	vst v63  }
0x39: {  	s23 =	simm.s32 $0x700;
	s24 =	simm.s32 $0x380;
	p0 =	sne.s32 s16, $0x1  }
0x3a: {  	[tilespmem:s21], [sflag:$0x1] =	stream.indirect.gather [hbm4b:s4+s2], $0x1, s20, s2, $0xb8;
	[tilespmem:$0x800] =	vst v63  }
.Ltmp0:
0x3b: {  	s25 =	simm.s32 $0x780;
	s14 =	sadd.s32 s14, s31;
	(pc) =	sbr.rel @!p0 .LBB2_2-.Ltmp0, $4  }
0x3c: {  	[tilespmem:s23], [sflag:$0x1] =	stream.indirect.gather [hbm4b:s4+s2], $0x1, s22, s2, $0xb8;
	[tilespmem:$0x800] =	vst v63  }
0x3d: {  	s18 =	simm.s32 $0x1;
	s17 =	simm.s32 $0x2000;
	s15 =	sadd.s32 $0x10, s14  }
0x3e: {  	[tilespmem:s25], [sflag:$0x1] =	stream.indirect.gather [hbm4b:s4+s2], $0x1, s24, s2, $0xb8;
	[tilespmem:$0x800] =	vst v63  }
0x3f: {  	s26 =	sadd.s32 $0xFFFFFFFF, s16;
	s16 =	simm.s32 $0x2;
	_ =	swait.ge [sflag:s18], $0x80  }
.LBB2_1:
0x40: {  	p0 =	sne.s32 s26, $0x1;
	s26 =	sadd.s32 $0xFFFFFFFF, s26;
	[sflag:s18] =	ssyncset.done $0x0  }
0x41: {  	[sflag:s18] =	ssyncadd.s32 $0xFFFFFF80  }
0x42: {  	_ =	swait.ge [sflag:s18], $0x80  }
0x43: {  	[sflag:s18] =	ssyncset.done $0x0  }
0x44: {  	[sflag:s18] =	ssyncadd.s32 $0xFFFFFF80  }
0x45: {  	_ =	swait.ge [sflag:s18], $0x80  }
0x46: {  	[sflag:s18] =	ssyncset.done $0x0  }
0x47: {  	[sflag:s18] =	ssyncadd.s32 $0xFFFFFF80  }
0x48: {  	_ =	swait.ge [sflag:s18], $0x80  }
0x49: {  	[sflag:s18] =	ssyncset.done $0x0  }
0x4a: {  	[sflag:s18] =	ssyncadd.s32 $0xFFFFFF80  }
0x4b: {  	_ =	swait.ge [sflag:s18], $0x80  }
0x4c: {  	[sflag:s18] =	ssyncset.done $0x0  }
0x4d: {  	[sflag:s18] =	ssyncadd.s32 $0xFFFFFF80  }
0x4e: {  	_ =	swait.ge [sflag:s18], $0x80  }
0x4f: {  	[sflag:s18] =	ssyncset.done $0x0  }
0x50: {  	[sflag:s18] =	ssyncadd.s32 $0xFFFFFF80  }
0x51: {  	_ =	swait.ge [sflag:s18], $0x80  }
0x52: {  	[sflag:s18] =	ssyncset.done $0x0  }
0x53: {  	[sflag:s18] =	ssyncadd.s32 $0xFFFFFF80  }
0x54: {  	_ =	swait.ge [sflag:s18], $0x80  }
0x55: {  	[sflag:s18] =	ssyncset.done $0x0  }
0x56: {  	[sflag:s18] =	ssyncadd.s32 $0xFFFFFF80  }
0x57: {  	[hbm4b:s14+s2] =	stream.strided.scatter [tilespmem:s3], [sflag:$0x2], $0x200, s17, s2, $0x38;
	[tilespmem:$0x800] =	vst v63  }
0x58: {  	_ = 	snop  }
0x59: {  	[hbm4b:s15+s2] =	stream.strided.scatter [tilespmem:s13], [sflag:$0x2], $0x200, s17, s2, $0x38;
	[tilespmem:$0x800] =	vst v63  }
0x5a: {  	_ =	swait.ge [sflag:s16], $0x200  }
0x5b: {  	[sflag:s16] =	ssyncset.done $0x0  }
0x5c: {  	[sflag:s16] =	ssyncadd.s32 $0xFFFFFE00  }
0x5d: {  	_ =	swait.ge [sflag:s16], $0x200  }
0x5e: {  	[sflag:s16] =	ssyncset.done $0x0  }
0x5f: {  	[sflag:s16] =	ssyncadd.s32 $0xFFFFFE00  }
0x60: {  	[tilespmem:s5], [sflag:$0x3] =	stream.linear.gather [hbm4b:s6+s5], $0x200, $0x38;
	[tilespmem:$0x800] =	vst v63  }
0x61: {  	_ =	swait.ge [sflag:s7], $0x200  }
0x62: {  	[sflag:s7] =	ssyncset.done $0x0  }
0x63: {  	[sflag:s7] =	ssyncadd.s32 $0xFFFFFE00  }
0x64: {  	[tilespmem:s3], [sflag:$0x1] =	stream.indirect.gather [hbm4b:s4+s2], $0x1, s5, s2, $0xb8;
	[tilespmem:$0x800] =	vst v63  }
0x65: {  	_ = 	snop  }
0x66: {  	[tilespmem:s8], [sflag:$0x1] =	stream.indirect.gather [hbm4b:s4+s2], $0x1, s2, s2, $0xb8;
	[tilespmem:$0x800] =	vst v63  }
0x67: {  	_ = 	snop  }
0x68: {  	[tilespmem:s10], [sflag:$0x1] =	stream.indirect.gather [hbm4b:s4+s2], $0x1, s9, s2, $0xb8;
	[tilespmem:$0x800] =	vst v63  }
0x69: {  	_ = 	snop  }
0x6a: {  	[tilespmem:s12], [sflag:$0x1] =	stream.indirect.gather [hbm4b:s4+s2], $0x1, s11, s2, $0xb8;
	[tilespmem:$0x800] =	vst v63  }
0x6b: {  	v0 =	vld [tilespmem:$0x1F0]  }
0x6c: {  	v1 =	vld [tilespmem:$0x1E0]  }
0x6d: {  	v2 =	vld [tilespmem:$0x160]  }
0x6e: {  	v3 =	vld [tilespmem:$0x1D0]  }
0x6f: {  	v4 =	vld [tilespmem:$0x1C0]  }
0x70: {  	v5 =	vld [tilespmem:$0x1B0];
	v0 =	vadd.s32 $0xC451, v0  }
0x71: {  	v6 =	vld [tilespmem:$0x190];
	v1 =	vadd.s32 $0xC451, v1;
	[tilespmem:$0x3F0] =	vst v0  }
0x72: {  	v0 =	vadd.s32 $0xC451, v2;
	v2 =	vld [tilespmem:$0x180];
	[tilespmem:$0x3E0] =	vst v1  }
0x73: {  	[tilespmem:$0x360] =	vst v0;
	v0 =	vld [tilespmem:$0x170];
	v1 =	vadd.s32 $0xC451, v3  }
0x74: {  	v3 =	vld [tilespmem:$0xE0];
	v4 =	vadd.s32 $0xC451, v4;
	[tilespmem:$0x3D0] =	vst v1  }
0x75: {  	v1 =	vld [tilespmem:$0x150];
	v5 =	vadd.s32 $0xC451, v5;
	[tilespmem:$0x3C0] =	vst v4  }
0x76: {  	v4 =	vld [tilespmem:$0x140];
	v6 =	vadd.s32 $0xC451, v6;
	[tilespmem:$0x3B0] =	vst v5  }
0x77: {  	v5 =	vld [tilespmem:$0x130];
	v2 =	vadd.s32 $0xC451, v2;
	[tilespmem:$0x390] =	vst v6  }
0x78: {  	v6 =	vld [tilespmem:$0x110];
	v0 =	vadd.s32 $0xC451, v0;
	[tilespmem:$0x380] =	vst v2  }
0x79: {  	v2 =	vadd.s32 $0xC451, v3;
	v3 =	vld [tilespmem:$0x100];
	[tilespmem:$0x370] =	vst v0  }
0x7a: {  	[tilespmem:$0x2E0] =	vst v2;
	v0 =	vld [tilespmem:$0xF0];
	v1 =	vadd.s32 $0xC451, v1  }
0x7b: {  	v2 =	vld [tilespmem:$0x30];
	v4 =	vadd.s32 $0xC451, v4;
	[tilespmem:$0x350] =	vst v1  }
0x7c: {  	v1 =	vld [tilespmem:$0xD0];
	v5 =	vadd.s32 $0xC451, v5;
	[tilespmem:$0x340] =	vst v4  }
0x7d: {  	v4 =	vld [tilespmem:$0xC0];
	v6 =	vadd.s32 $0xC451, v6;
	[tilespmem:$0x330] =	vst v5  }
0x7e: {  	v5 =	vld [tilespmem:$0xB0];
	v3 =	vadd.s32 $0xC451, v3;
	[tilespmem:$0x310] =	vst v6  }
0x7f: {  	v6 =	vld [tilespmem:$0xA0];
	v0 =	vadd.s32 $0xC451, v0;
	[tilespmem:$0x300] =	vst v3  }
0x80: {  	v2 =	vadd.s32 $0xC451, v2;
	v3 =	vld [tilespmem:$0x90];
	[tilespmem:$0x2F0] =	vst v0  }
0x81: {  	[tilespmem:$0x230] =	vst v2;
	v0 =	vld [tilespmem:$0x80];
	v1 =	vadd.s32 $0xC451, v1  }
0x82: {  	v2 =	vld [tilespmem:$0x60];
	v4 =	vadd.s32 $0xC451, v4;
	[tilespmem:$0x2D0] =	vst v1  }
0x83: {  	v1 =	vld [tilespmem:$0x50];
	v5 =	vadd.s32 $0xC451, v5;
	[tilespmem:$0x2C0] =	vst v4  }
0x84: {  	v4 =	vld [tilespmem:$0x40];
	v6 =	vadd.s32 $0xC451, v6;
	[tilespmem:$0x2B0] =	vst v5  }
0x85: {  	v3 =	vadd.s32 $0xC451, v3;
	[tilespmem:$0x2A0] =	vst v6;
	v5 =	vld [tilespmem:$0x1A0]  }
0x86: {  	v6 =	vld [tilespmem:$0x20];
	v0 =	vadd.s32 $0xC451, v0;
	[tilespmem:$0x290] =	vst v3  }
0x87: {  	v3 =	vld [tilespmem:$0x10];
	v2 =	vadd.s32 $0xC451, v2;
	[tilespmem:$0x280] =	vst v0  }
0x88: {  	v0 =	vadd.s32 $0xC451, v1;
	[tilespmem:$0x260] =	vst v2;
	v1 =	vld [tilespmem:$0x120]  }
0x89: {  	v2 =	vadd.s32 $0xC451, v4;
	[tilespmem:$0x250] =	vst v0;
	v0 =	vld [tilespmem:$0x70]  }
0x8a: {  	v4 =	vld [tilespmem:$0x0];
	[tilespmem:$0x240] =	vst v2;
	v2 =	vadd.s32 $0xC451, v5  }
0x8b: {  	v5 =	vadd.s32 $0xC451, v6;
	[tilespmem:$0x3A0] =	vst v2  }
0x8c: {  	v2 =	vadd.s32 $0xC451, v3;
	[tilespmem:$0x220] =	vst v5  }
0x8d: {  	[tilespmem:$0x210] =	vst v2;
	v1 =	vadd.s32 $0xC451, v1  }
0x8e: {  	v0 =	vadd.s32 $0xC451, v0;
	[tilespmem:$0x320] =	vst v1  }
0x8f: {  	v1 =	vadd.s32 $0xC451, v4;
	[tilespmem:$0x270] =	vst v0  }
0x90: {  	[tilespmem:$0x200] =	vst v1  }
0x91: {  	[tilespmem:s13], [sflag:$0x1] =	stream.indirect.gather [hbm4b:s4+s2], $0x1, s19, s2, $0xb8;
	[tilespmem:$0x800] =	vst v63  }
0x92: {  	_ = 	snop  }
0x93: {  	[tilespmem:s21], [sflag:$0x1] =	stream.indirect.gather [hbm4b:s4+s2], $0x1, s20, s2, $0xb8;
	[tilespmem:$0x800] =	vst v63  }
.Ltmp1:
0x94: {  	(pc) =	sbr.rel @p0 .LBB2_1-.Ltmp1, $4  }
0x95: {  	[tilespmem:s23], [sflag:$0x1] =	stream.indirect.gather [hbm4b:s4+s2], $0x1, s22, s2, $0xb8;
	[tilespmem:$0x800] =	vst v63  }
0x96: {  	_ = 	snop  }
0x97: {  	[tilespmem:s25], [sflag:$0x1] =	stream.indirect.gather [hbm4b:s4+s2], $0x1, s24, s2, $0xb8;
	[tilespmem:$0x800] =	vst v63  }
0x98: {  	_ =	swait.ge [sflag:s18], $0x80  }
.LBB2_2:
0x99: {  	[sflag:s18] =	ssyncset.done $0x0  }
0x9a: {  	[sflag:s18] =	ssyncadd.s32 $0xFFFFFF80  }
0x9b: {  	_ =	swait.ge [sflag:s18], $0x80  }
0x9c: {  	[sflag:s18] =	ssyncset.done $0x0  }
0x9d: {  	[sflag:s18] =	ssyncadd.s32 $0xFFFFFF80  }
0x9e: {  	_ =	swait.ge [sflag:s18], $0x80  }
0x9f: {  	[sflag:s18] =	ssyncset.done $0x0  }
0xa0: {  	[sflag:s18] =	ssyncadd.s32 $0xFFFFFF80  }
0xa1: {  	_ =	swait.ge [sflag:s18], $0x80  }
0xa2: {  	[sflag:s18] =	ssyncset.done $0x0  }
0xa3: {  	[sflag:s18] =	ssyncadd.s32 $0xFFFFFF80  }
0xa4: {  	_ =	swait.ge [sflag:s18], $0x80  }
0xa5: {  	[sflag:s18] =	ssyncset.done $0x0  }
0xa6: {  	[sflag:s18] =	ssyncadd.s32 $0xFFFFFF80  }
0xa7: {  	_ =	swait.ge [sflag:s18], $0x80  }
0xa8: {  	[sflag:s18] =	ssyncset.done $0x0  }
0xa9: {  	[sflag:s18] =	ssyncadd.s32 $0xFFFFFF80  }
0xaa: {  	_ =	swait.ge [sflag:s18], $0x80  }
0xab: {  	[sflag:s18] =	ssyncset.done $0x0  }
0xac: {  	[sflag:s18] =	ssyncadd.s32 $0xFFFFFF80  }
0xad: {  	_ =	swait.ge [sflag:s18], $0x80  }
0xae: {  	[sflag:s18] =	ssyncset.done $0x0  }
0xaf: {  	[sflag:s18] =	ssyncadd.s32 $0xFFFFFF80  }
0xb0: {  	[hbm4b:s14+s2] =	stream.strided.scatter [tilespmem:s3], [sflag:$0x2], $0x200, s17, s2, $0x38;
	[tilespmem:$0x800] =	vst v63  }
0xb1: {  	_ = 	snop  }
0xb2: {  	[hbm4b:s15+s2] =	stream.strided.scatter [tilespmem:s13], [sflag:$0x2], $0x200, s17, s2, $0x38;
	[tilespmem:$0x800] =	vst v63  }
0xb3: {  	_ =	swait.ge [sflag:s16], $0x200  }
0xb4: {  	[sflag:s16] =	ssyncset.done $0x0  }
0xb5: {  	[sflag:s16] =	ssyncadd.s32 $0xFFFFFE00  }
0xb6: {  	_ =	swait.ge [sflag:s16], $0x200  }
0xb7: {  	[sflag:s16] =	ssyncset.done $0x0  }
0xb8: {  	[sflag:s16] =	ssyncadd.s32 $0xFFFFFE00  }
0xb9: {  	_ =	sfence.sel $0x180000  }
0xba: {  	[bflag:$0x0] =	sbarrier.arrive $0xFFFF  }
0xbb: {  	p0 =	sne.s32 s0, $0x0;
	_ =	strace $0x90000047  }
0xbc: {  	s0 =	sadd.s32 @!p0 $0x100000, s1;
	[bflag:$0x2] =	sbarrier.arrive $0xFFFF  }
0xbd: {  	[sflag:s0] =	ssyncadd.tile.s32 @!p0 $0x1;
	_ =	shalt  }
.Lfunc_end2:
_tile_overlayer_lowered:
.L_overlay_start_2:
0xbe: {  	(tag) =	ssettag $0x2  }
0xbf: {  	s0 =	rddreg [dreg:$0x0];
	s2 =	stileid.u32  }
0xc0: {  	s1 =	rddreg [dreg:$0x1];
	p0 =	sne.s32 s2, $0x0  }
0xc1: {  	s3 =	rddreg [dreg:$0x2];
	[bflag:$0x3] =	sbarrier.arrive $0xFFFF;
	s2 =	simm.s32 @!p0 $0x1C03  }
0xc2: {  	[timem:s3], [sflag:s2] =	dma.local @!p0 [hbm:s0], s1  }
0xc3: {  	s0 =	simm.s32 @!p0 $0x3  }
0xc4: {  	_ =	swait.ge @!p0 [sflag:s0], s1  }
0xc5: {  	s1 =	ssub.s32 @!p0 $0x0, s1;
	[sflag:s0] =	ssyncset.done @!p0 $0x0  }
0xc6: {  	[sflag:s0] =	ssyncadd.s32 @!p0 s1  }
0xc7: {  	[bflag:$0x3] =	sbarrier.arrive $0xFFFF  }
0xc8: {  	_ =	shalt  }

</sc_bundles>
